<compile_context>
chip_gen: v7x
topology: tpu7x:2x2x1
jax: 0.10.2.dev20260603
libtpu: 0.0.44.dev20260713+nightly
codegen_flags: <defaults>
</compile_context>

<pallas_src>
import functools

import numpy as np
import jax
import jax.numpy as jnp
from jax import lax
from jax.experimental import pallas as pl
from jax.experimental.pallas import tpu as pltpu
from jax.experimental.pallas import tpu_sc as plsc

N = 10000
E = 160000
D_IN = 128
MUL = 16
RB = 8
RH = 32
POOL_H = 128
OUT_DIM = 512
NB = 16

TE = 8000
NW = 32
EPW = E // NW
NPT = N // 16

def _sc_mesh():
    return plsc.VectorSubcoreMesh(core_axis_name="c", subcore_axis_name="s")


_SC_PARAMS = pltpu.CompilerParams(use_tc_tiling_on_sc=False)
_RBF_NORM = np.float32(1.0 / (np.sqrt(2.0 * 3.14159) * 0.5))


def _silu(v):
    return v * jax.nn.sigmoid(v)


def _sc_gather(table, idx):
    @functools.partial(
        pl.kernel,
        out_type=jax.ShapeDtypeStruct((E, MUL), jnp.float32),
        mesh=_sc_mesh(),
        compiler_params=_SC_PARAMS,
        scratch_types=[
            pltpu.VMEM((EPW,), jnp.int32),
            pltpu.VMEM((EPW, MUL), jnp.float32),
            pltpu.SemaphoreType.DMA,
        ],
    )
    def k(table_hbm, idx_hbm, out_hbm, idx_v, rows_v, sem):
        wid = lax.axis_index("s") * 2 + lax.axis_index("c")
        base = wid * EPW
        pltpu.sync_copy(idx_hbm.at[pl.ds(base, EPW)], idx_v)
        pltpu.async_copy(table_hbm.at[idx_v], rows_v, sem).wait()
        pltpu.sync_copy(rows_v, out_hbm.at[pl.ds(base, EPW)])

    return k(table, idx)


def _sc_scatter(msg, idx):
    @functools.partial(
        pl.kernel,
        out_type=jax.ShapeDtypeStruct((2, N, MUL), jnp.float32),
        mesh=_sc_mesh(),
        compiler_params=_SC_PARAMS,
        scratch_types=[
            pltpu.VMEM((EPW,), jnp.int32),
            pltpu.VMEM((EPW, MUL), jnp.float32),
            pltpu.VMEM((NPT, MUL), jnp.float32),
            pltpu.VMEM_SHARED((N, MUL), jnp.float32),
            pltpu.SemaphoreType.DMA,
        ],
    )
    def k(msg_hbm, idx_hbm, out_hbm, idx_v, msg_v, node_v, acc_sh, sem):
        c = lax.axis_index("c")
        s = lax.axis_index("s")
        wid = s * 2 + c

        def zrow(i, _):
            node_v[i, :] = jnp.zeros((MUL,), jnp.float32)
            return 0
        lax.fori_loop(0, NPT, zrow, 0)
        pltpu.sync_copy(node_v, acc_sh.at[pl.ds(s * NPT, NPT)])
        plsc.subcore_barrier()

        base = wid * EPW
        pltpu.sync_copy(idx_hbm.at[pl.ds(base, EPW)], idx_v)
        pltpu.sync_copy(msg_hbm.at[pl.ds(base, EPW)], msg_v)
        pltpu.sync_copy(msg_v, acc_sh.at[idx_v], add=True)
        plsc.subcore_barrier()

        pltpu.sync_copy(acc_sh.at[pl.ds(s * NPT, NPT)], node_v)
        pltpu.sync_copy(node_v, out_hbm.at[c, pl.ds(s * NPT, NPT)])

    return k(msg, idx)


_Q = np.zeros((MUL, MUL * MUL), np.float32)
for _u in range(MUL):
    _Q[_u, _u * MUL:(_u + 1) * MUL] = 1.0
_R = np.zeros((MUL * MUL, MUL), np.float32)
for _u in range(MUL):
    for _v in range(MUL):
        _R[_u * MUL + _v, _v] = 1.0


_S = np.zeros((128, 128), np.float32)
for _j in range(8):
    for _k in range(3):
        for _i in range(RB):
            _S[16 * _j + _k, 16 * _j + _i] = 1.0


def _edge_body(ps_ref, pd_ref, hsrc_ref, w1bd_ref, b1bd_ref, w2bd_ref,
               b2bd_ref, w3_ref, b3_ref, q_ref, r_ref, s_ref, msg_ref):
    ps8 = ps_ref[...]
    pd8 = pd_ref[...]
    hs8 = hsrc_ref[...]
    diff = pd8 - ps8
    d2 = jnp.dot(diff * diff, s_ref[...],
                 preferred_element_type=jnp.float32)
    dist = jnp.maximum(jnp.sqrt(d2), 1e-6)
    li = jax.lax.broadcasted_iota(jnp.int32, (1, 128), 1) % 16
    centers = jnp.where(li < RB, li.astype(jnp.float32)
                        * np.float32(6.0 / (RB - 1)), jnp.float32(1e5))
    rbf = jnp.exp(-((dist - centers) ** 2) * 2.0) * _RBF_NORM
    h1 = _silu(jnp.dot(rbf, w1bd_ref[...],
                       preferred_element_type=jnp.float32) + b1bd_ref[...])
    h2 = _silu(jnp.dot(h1, w2bd_ref[...],
                       preferred_element_type=jnp.float32) + b2bd_ref[...])
    w3 = w3_ref[...]
    b3 = b3_ref[...]
    q = q_ref[...]
    r = r_ref[...]
    msgs = []
    for j in range(8):
        twj = (jnp.dot(h2[:, 32 * j:32 * (j + 1)], w3,
                       preferred_element_type=jnp.float32) + b3)
        hbj = jnp.dot(hs8[:, 16 * j:16 * (j + 1)], q,
                      preferred_element_type=jnp.float32)
        msgs.append(jnp.dot(twj * hbj, r,
                            preferred_element_type=jnp.float32))
    msg_ref[...] = (jnp.concatenate(msgs, axis=1)
                    * np.float32(1.0 / np.sqrt(MUL)))


def _edge_msg(possrc, posdst, hsrc, w1, b1, w2, b2, w3, b3):
    grid = (E // TE,)
    pk = lambda a: a.reshape(E // 8, 128)
    eye8 = jnp.eye(8, dtype=jnp.float32)
    w1bd = jnp.kron(eye8, jnp.pad(w1, ((0, MUL - RB), (0, 0))))
    w2bd = jnp.kron(eye8, w2)
    b1bd = jnp.tile(b1, 8).reshape(1, 8 * RH)
    b2bd = jnp.tile(b2, 8).reshape(1, 8 * RH)
    return pl.pallas_call(
        _edge_body,
        grid=grid,
        in_specs=[
            pl.BlockSpec((TE // 8, 128), lambda i: (i, 0)),
            pl.BlockSpec((TE // 8, 128), lambda i: (i, 0)),
            pl.BlockSpec((TE // 8, 128), lambda i: (i, 0)),
            pl.BlockSpec((128, 8 * RH), lambda i: (0, 0)),
            pl.BlockSpec((1, 8 * RH), lambda i: (0, 0)),
            pl.BlockSpec((8 * RH, 8 * RH), lambda i: (0, 0)),
            pl.BlockSpec((1, 8 * RH), lambda i: (0, 0)),
            pl.BlockSpec((RH, MUL * MUL), lambda i: (0, 0)),
            pl.BlockSpec((1, MUL * MUL), lambda i: (0, 0)),
            pl.BlockSpec((MUL, MUL * MUL), lambda i: (0, 0)),
            pl.BlockSpec((MUL * MUL, MUL), lambda i: (0, 0)),
            pl.BlockSpec((128, 128), lambda i: (0, 0)),
        ],
        out_specs=pl.BlockSpec((TE // 8, 128), lambda i: (i, 0)),
        out_shape=jax.ShapeDtypeStruct((E // 8, 128), jnp.float32),
    )(pk(possrc), pk(posdst), pk(hsrc),
      w1bd, b1bd, w2bd, b2bd,
      w3, b3.reshape(1, MUL * MUL), jnp.asarray(_Q), jnp.asarray(_R),
      jnp.asarray(_S))


def _matmul_body(x_ref, w_ref, o_ref):
    o_ref[...] = jnp.dot(x_ref[...], w_ref[...],
                         preferred_element_type=jnp.float32)


def _matmul(x, w):
    m, _ = x.shape
    _, n = w.shape
    return pl.pallas_call(
        _matmul_body,
        out_shape=jax.ShapeDtypeStruct((m, n), jnp.float32),
    )(x, w)


def _update_body(h_ref, w_ref, p_ref, o_ref):
    o_ref[...] = (jnp.dot(h_ref[...], w_ref[...],
                          preferred_element_type=jnp.float32)
                  + p_ref[0] + p_ref[1])


def _self_plus_agg(h, w, parts):
    return pl.pallas_call(
        _update_body,
        out_shape=jax.ShapeDtypeStruct(h.shape, jnp.float32),
    )(h, w, parts)


def _tail_body(h_ref, batch_ref, p1w_ref, p1b_ref, p2w_ref, p2b_ref,
               p3w_ref, p3b_ref, ow_ref, ob_ref, lng_ref, lnb_ref, out_ref):
    h = h_ref[...]
    a = _silu(jnp.dot(h, p1w_ref[...], preferred_element_type=jnp.float32)
              + p1b_ref[...])
    a = _silu(jnp.dot(a, p2w_ref[...], preferred_element_type=jnp.float32)
              + p2b_ref[...])
    logits = (jnp.dot(a, p3w_ref[...], preferred_element_type=jnp.float32)
              + p3b_ref[...])
    batch = batch_ref[...]
    seg_ids = jax.lax.broadcasted_iota(jnp.int32, (N, NB), 1)
    onehot = batch == seg_ids
    onehot_f = onehot.astype(jnp.float32)
    masked = jnp.where(onehot, logits, jnp.float32(-3e38))
    seg_max = jnp.max(masked, axis=0, keepdims=True)
    maxn = jnp.sum(onehot_f * seg_max, axis=1, keepdims=True)
    zexp = jnp.exp(logits - maxn)
    denom = jnp.sum(onehot_f * zexp, axis=0, keepdims=True)
    wgt = onehot_f * zexp
    g = jax.lax.dot_general(wgt, h, (((0,), (0,)), ((), ())),
                            preferred_element_type=jnp.float32)
    g = g / denom.reshape(NB, 1)
    o = (jnp.dot(g, ow_ref[...], preferred_element_type=jnp.float32)
         + ob_ref[...])
    mu = jnp.mean(o, axis=1, keepdims=True)
    var = jnp.mean(o * o, axis=1, keepdims=True) - mu * mu
    out_ref[...] = ((o - mu) * jax.lax.rsqrt(var + 1e-5)
                    * lng_ref[...] + lnb_ref[...])


def _tail(h, batch, params):
    return pl.pallas_call(
        _tail_body,
        out_shape=jax.ShapeDtypeStruct((NB, OUT_DIM), jnp.float32),
    )(h, batch.reshape(N, 1),
      params['p1_w'], params['p1_b'].reshape(1, POOL_H),
      params['p2_w'], params['p2_b'].reshape(1, POOL_H),
      params['p3_w'], params['p3_b'].reshape(1, 1),
      params['o_w'], params['o_b'].reshape(1, OUT_DIM),
      params['ln_g'].reshape(1, OUT_DIM), params['ln_b'].reshape(1, OUT_DIM))


def kernel(x, pos, edge_index, batch, params):
    src = edge_index[0]
    dst = edge_index[1]
    h = _matmul(x, params['W_in'] / np.sqrt(D_IN))
    pos_pad = jnp.pad(pos, ((0, 0), (0, MUL - 3)))
    possrc = _sc_gather(pos_pad, src)
    posdst = _sc_gather(pos_pad, dst)
    for lp in params['layers']:
        hsrc = _sc_gather(h, src)
        msg = _edge_msg(possrc, posdst, hsrc,
                        lp['w1'], lp['b1'], lp['w2'], lp['b2'],
                        lp['w3'], lp['b3'])
        parts = _sc_scatter(msg.reshape(E, MUL), dst)
        h = _self_plus_agg(h, lp['W_si'] / np.sqrt(MUL), parts)
    return _tail(h, batch, params)

# --- scband reference (transcript-rebuilt; emitter-appended) ---
"""Pipeline reference for scband-rnapocket-encoder-25022479466500 (READ-ONLY COPY).

The authoritative reference and input builder live on the scoring server;
editing this copy changes nothing except your own understanding.
"""

import jax, jax.numpy as jnp
import numpy as np

N = 10000
E = 160000
D_IN = 128
MUL = 16
RB = 8
RH = 32
POOL_H = 128
OUT_DIM = 512
N_LAYERS = 2
B = 16
WNUM = MUL * MUL


def silu(v):
    return v * jax.nn.sigmoid(v)


def spherical_harmonics_012(u):
    x, y, z = u[:, 0], u[:, 1], u[:, 2]
    return jnp.stack([
        jnp.ones_like(x),
        np.sqrt(3.0) * x, np.sqrt(3.0) * y, np.sqrt(3.0) * z,
        np.sqrt(15.0) * x * y, np.sqrt(15.0) * y * z,
        (np.sqrt(5.0) / 2.0) * (2.0 * z * z - x * x - y * y),
        np.sqrt(15.0) * x * z, (np.sqrt(15.0) / 2.0) * (x * x - y * y),
    ], axis=-1)


def _n(key, i, shape, scale=1.0):
    return jax.random.normal(jax.random.fold_in(key, i), shape, jnp.float32) * scale


def setup_inputs(seed: int = 0):
    key = jax.random.key(seed)
    x = jax.random.normal(jax.random.fold_in(key, 0), (N, D_IN), jnp.float32)
    pos = jax.random.normal(jax.random.fold_in(key, 1), (N, 3), jnp.float32)
    edge_index = jax.random.randint(jax.random.fold_in(key, 2), (2, E), 0, N, dtype=jnp.int32)
    batch = jnp.sort(jax.random.randint(jax.random.fold_in(key, 3), (N,), 0, B, dtype=jnp.int32))
    c = 10
    layers = []
    for l in range(N_LAYERS):
        layers.append({
            'W_si': _n(key, c + 0, (MUL, MUL)),
            'w1': _n(key, c + 1, (RB, RH), 1.0 / np.sqrt(RB)), 'b1': jnp.zeros((RH,), jnp.float32),
            'w2': _n(key, c + 2, (RH, RH), 1.0 / np.sqrt(RH)), 'b2': jnp.zeros((RH,), jnp.float32),
            'w3': _n(key, c + 3, (RH, WNUM), 1.0 / np.sqrt(RH)), 'b3': jnp.zeros((WNUM,), jnp.float32),
        })
        c += 4
    params = {
        'W_in': _n(key, 4, (D_IN, MUL)),
        'layers': layers,
        'p1_w': _n(key, c + 0, (MUL, POOL_H), 1.0 / np.sqrt(MUL)), 'p1_b': jnp.zeros((POOL_H,), jnp.float32),
        'p2_w': _n(key, c + 1, (POOL_H, POOL_H), 1.0 / np.sqrt(POOL_H)), 'p2_b': jnp.zeros((POOL_H,), jnp.float32),
        'p3_w': _n(key, c + 2, (POOL_H, 1), 1.0 / np.sqrt(POOL_H)), 'p3_b': jnp.zeros((1,), jnp.float32),
        'o_w': _n(key, c + 3, (MUL, OUT_DIM), 1.0 / np.sqrt(MUL)), 'o_b': jnp.zeros((OUT_DIM,), jnp.float32),
        'ln_g': jnp.ones((OUT_DIM,), jnp.float32), 'ln_b': jnp.zeros((OUT_DIM,), jnp.float32),
    }
    return {'x': x, 'pos': pos, 'edge_index': edge_index, 'batch': batch, 'params': params}


def _forward(x, pos, edge_index, batch, params):
    src = edge_index[0]
    dst = edge_index[1]
    h = x @ (params['W_in'] / np.sqrt(D_IN))
    centers = jnp.linspace(0.0, 6.0, RB)
    widths = 0.5
    for lp in params['layers']:
        h_self = h @ (lp['W_si'] / np.sqrt(MUL))
        rel = pos[dst] - pos[src]
        dist = jnp.clip(jnp.linalg.norm(rel, axis=-1, keepdims=True), 1e-6, None)
        u = rel / dist
        sh = spherical_harmonics_012(u)
        rbf = jnp.exp(-((dist - centers) ** 2) / (2.0 * widths ** 2))
        rbf = rbf / (np.sqrt(2.0 * 3.14159) * widths)
        hh = silu(rbf @ lp['w1'] + lp['b1'])
        hh = silu(hh @ lp['w2'] + lp['b2'])
        tw = (hh @ lp['w3'] + lp['b3']).reshape(-1, MUL, MUL)
        msg = jnp.einsum('euv,eu->ev', tw, h[src]) * sh[:, :1] / np.sqrt(MUL)
        agg = jax.ops.segment_sum(msg, dst, num_segments=N)
        h = h_self + agg
    h_scalar = h[:, :MUL]
    a = silu(h_scalar @ params['p1_w'] + params['p1_b'])
    a = silu(a @ params['p2_w'] + params['p2_b'])
    logits = (a @ params['p3_w'] + params['p3_b'])[:, 0]
    seg_max = jax.ops.segment_max(logits, batch, num_segments=B)
    zexp = jnp.exp(logits - seg_max[batch])
    denom = jax.ops.segment_sum(zexp, batch, num_segments=B)
    attn = (zexp / denom[batch])[:, None]
    g = jax.ops.segment_sum(h_scalar * attn, batch, num_segments=B)
    o = g @ params['o_w'] + params['o_b']
    mu = jnp.mean(o, axis=-1, keepdims=True)
    var = jnp.var(o, axis=-1, keepdims=True)
    return (o - mu) / jnp.sqrt(var + 1e-5) * params['ln_g'] + params['ln_b']


def reference(x, pos, edge_index, batch, params):
    return _forward(x, pos, edge_index, batch, params)

if __name__ == "__main__":
    import jax
    _d = setup_inputs()
    print(jax.jit(kernel)(*tuple(_d.values())))

</pallas_src>

<mosaic_0001>
#map = affine_map<(d0, d1) -> (0, 0)>
#map1 = affine_map<(d0, d1) -> (0)>
#map2 = affine_map<(d0, d1) -> (0, 0, 0)>
module attributes {stable_mosaic.version = 14 : i64} {
  func.func @k(%arg0: i32, %arg1: i32, %arg2: memref<160000x16xf32, #tpu.memory_space<hbm>>, %arg3: memref<160000xi32, #tpu.memory_space<hbm>>, %arg4: memref<2x10000x16xf32, #tpu.memory_space<hbm>>, %arg5: memref<5000xi32, #tpu.memory_space<vmem>>, %arg6: memref<5000x16xf32, #tpu.memory_space<vmem>>, %arg7: memref<625x16xf32, #tpu.memory_space<vmem>>, %arg8: memref<10000x16xf32, #tpu.memory_space<vmem_shared>>, %arg9: memref<!tpu.dma_semaphore, #tpu.memory_space<semaphore_mem>>) attributes {dimension_semantics = [#tpu.dimension_semantics<core_parallel>, #tpu.dimension_semantics<subcore_parallel>], iteration_bounds = array<i64: 2, 16>, scalar_prefetch = 0 : i64, scratch_operands = 5 : i64, tpu.core_type = #tpu.core_type<sc_vector_subcore>, window_params = [{transform_indices = #map}, {transform_indices = #map1}, {transform_indices = #map2}]} {
    %mul3A = arith.constant 2 : i32
    %mul3A_0 = arith.muli %arg1, %mul3A : i32
    %add3A = arith.addi %mul3A_0, %arg0 : i32
    %scan3A = arith.constant 0 : i32
    %scan3A_1 = arith.constant 0 : i32
    %scan3A_2 = arith.constant 625 : i32
    %scan3A_3 = arith.addi %scan3A_1, %scan3A_2 : i32
    %scan3A_4 = arith.constant 1 : i32
    %scan3A_5 = scf.for %scan3A_16 = %scan3A_1 to %scan3A_3 step %scan3A_4 iter_args(%scan3A_17 = %scan3A) -> (i32)  : i32 {
      %broadcast_in_dim3A = arith.constant 0.000000e+00 : f32
      %broadcast_in_dim3A_18 = vector.broadcast %broadcast_in_dim3A : f32 to vector<16xf32>
      %swap3A = arith.index_cast %scan3A_16 : i32 to index
      %swap3A_19 = arith.constant 0 : index
      %swap3A_20 = tpu.vector_load %arg7[%swap3A, %swap3A_19] {strides = array<i32>} : memref<625x16xf32, #tpu.memory_space<vmem>>, vector<1x16xf32>,
      %swap3A_21 = vector.shape_cast %swap3A_20 : vector<1x16xf32> to vector<16xf32>
      %swap3A_22 = vector.shape_cast %broadcast_in_dim3A_18 : vector<16xf32> to vector<1x16xf32>
      tpu.vector_store %arg7[%swap3A, %swap3A_19], %swap3A_22 {strides = array<i32>} : memref<625x16xf32, #tpu.memory_space<vmem>>, vector<1x16xf32>,
      %scan3A_23 = arith.constant 0 : i32
      scf.yield %scan3A_23 : i32
    }
    %scan3A_6 = arith.constant 625 : i32
    %mul3A_7 = arith.constant 625 : i32
    %mul3A_8 = arith.muli %arg1, %mul3A_7 : i32
    "tpu.region"() ({
      %run_scoped3A = tpu.sem_alloc : memref<!tpu.dma_semaphore, #tpu.memory_space<semaphore_mem>>
      %dma_start3A = arith.constant 0 : i32
      %dma_start3A_16 = tpu.memref_slice %arg8[%mul3A_8, %dma_start3A] : memref<10000x16xf32, #tpu.memory_space<vmem_shared>> -> memref<625x16xf32, #tpu.memory_space<vmem_shared>>
      %dma_start3A_17 = arith.constant 0 : i32
      %dma_start3A_18 = tpu.memref_slice %arg8[%mul3A_8, %dma_start3A_17] : memref<10000x16xf32, #tpu.memory_space<vmem_shared>> -> memref<625x16xf32, #tpu.memory_space<vmem_shared>>
      tpu.enqueue_dma source(%arg7 : memref<625x16xf32, #tpu.memory_space<vmem>>) target(%dma_start3A_18 : memref<625x16xf32, #tpu.memory_space<vmem_shared>>) target_semaphore(%run_scoped3A : memref<!tpu.dma_semaphore, #tpu.memory_space<semaphore_mem>>)
      %dma_wait3A = arith.constant 0 : i32
      %dma_wait3A_19 = tpu.memref_slice %arg8[%mul3A_8, %dma_wait3A] : memref<10000x16xf32, #tpu.memory_space<vmem_shared>> -> memref<625x16xf32, #tpu.memory_space<vmem_shared>>
      %dma_wait3A_20 = arith.constant 0 : i32
      %dma_wait3A_21 = tpu.memref_slice %arg8[%mul3A_8, %dma_wait3A_20] : memref<10000x16xf32, #tpu.memory_space<vmem_shared>> -> memref<625x16xf32, #tpu.memory_space<vmem_shared>>
      tpu.wait_dma2 semaphore(%run_scoped3A : memref<!tpu.dma_semaphore, #tpu.memory_space<semaphore_mem>>) src(%arg7 : memref<625x16xf32, #tpu.memory_space<vmem>>) dst(%dma_wait3A_21 : memref<625x16xf32, #tpu.memory_space<vmem_shared>>)
      tpu.yield
    }) : () -> ()
    %barrier3A = arith.constant 0 : index
    tpu.barrier barrier_id(%barrier3A)
    %mul3A_9 = arith.constant 5000 : i32
    %mul3A_10 = arith.muli %add3A, %mul3A_9 : i32
    "tpu.region"() ({
      %run_scoped3A = tpu.sem_alloc : memref<!tpu.dma_semaphore, #tpu.memory_space<semaphore_mem>>
      %dma_start3A = tpu.memref_slice %arg3[%mul3A_10] : memref<160000xi32, #tpu.memory_space<hbm>> -> memref<5000xi32, #tpu.memory_space<hbm>>
      %dma_start3A_16 = tpu.memref_slice %arg3[%mul3A_10] : memref<160000xi32, #tpu.memory_space<hbm>> -> memref<5000xi32, #tpu.memory_space<hbm>>
      tpu.enqueue_dma source(%dma_start3A_16 : memref<5000xi32, #tpu.memory_space<hbm>>) target(%arg5 : memref<5000xi32, #tpu.memory_space<vmem>>) target_semaphore(%run_scoped3A : memref<!tpu.dma_semaphore, #tpu.memory_space<semaphore_mem>>)
      %dma_wait3A = tpu.memref_slice %arg3[%mul3A_10] : memref<160000xi32, #tpu.memory_space<hbm>> -> memref<5000xi32, #tpu.memory_space<hbm>>
      %dma_wait3A_17 = tpu.memref_slice %arg3[%mul3A_10] : memref<160000xi32, #tpu.memory_space<hbm>> -> memref<5000xi32, #tpu.memory_space<hbm>>
      tpu.wait_dma2 semaphore(%run_scoped3A : memref<!tpu.dma_semaphore, #tpu.memory_space<semaphore_mem>>) src(%dma_wait3A_17 : memref<5000xi32, #tpu.memory_space<hbm>>) dst(%arg5 : memref<5000xi32, #tpu.memory_space<vmem>>)
      tpu.yield
    }) : () -> ()
    "tpu.region"() ({
      %run_scoped3A = tpu.sem_alloc : memref<!tpu.dma_semaphore, #tpu.memory_space<semaphore_mem>>
      %dma_start3A = arith.constant 0 : i32
      %dma_start3A_16 = tpu.memref_slice %arg2[%mul3A_10, %dma_start3A] : memref<160000x16xf32, #tpu.memory_space<hbm>> -> memref<5000x16xf32, #tpu.memory_space<hbm>>
      %dma_start3A_17 = arith.constant 0 : i32
      %dma_start3A_18 = tpu.memref_slice %arg2[%mul3A_10, %dma_start3A_17] : memref<160000x16xf32, #tpu.memory_space<hbm>> -> memref<5000x16xf32, #tpu.memory_space<hbm>>
      tpu.enqueue_dma source(%dma_start3A_18 : memref<5000x16xf32, #tpu.memory_space<hbm>>) target(%arg6 : memref<5000x16xf32, #tpu.memory_space<vmem>>) target_semaphore(%run_scoped3A : memref<!tpu.dma_semaphore, #tpu.memory_space<semaphore_mem>>)
      %dma_wait3A = arith.constant 0 : i32
      %dma_wait3A_19 = tpu.memref_slice %arg2[%mul3A_10, %dma_wait3A] : memref<160000x16xf32, #tpu.memory_space<hbm>> -> memref<5000x16xf32, #tpu.memory_space<hbm>>
      %dma_wait3A_20 = arith.constant 0 : i32
      %dma_wait3A_21 = tpu.memref_slice %arg2[%mul3A_10, %dma_wait3A_20] : memref<160000x16xf32, #tpu.memory_space<hbm>> -> memref<5000x16xf32, #tpu.memory_space<hbm>>
      tpu.wait_dma2 semaphore(%run_scoped3A : memref<!tpu.dma_semaphore, #tpu.memory_space<semaphore_mem>>) src(%dma_wait3A_21 : memref<5000x16xf32, #tpu.memory_space<hbm>>) dst(%arg6 : memref<5000x16xf32, #tpu.memory_space<vmem>>)
      tpu.yield
    }) : () -> ()
    "tpu.region"() ({
      %run_scoped3A = tpu.sem_alloc : memref<!tpu.dma_semaphore, #tpu.memory_space<semaphore_mem>>
      %dma_start3A = arith.constant 0 : i32
      %dma_start3A_16 = arith.constant 0 : i32
      %dma_start3A_17 = tpu.memref_slice %arg8[%dma_start3A, %dma_start3A_16] : memref<10000x16xf32, #tpu.memory_space<vmem_shared>> -> memref<10000x16xf32, #tpu.memory_space<vmem_shared>>
      tpu.enqueue_indirect_dma source(%arg6 : memref<5000x16xf32, #tpu.memory_space<vmem>>) target(%dma_start3A_17 : memref<10000x16xf32, #tpu.memory_space<vmem_shared>>) offsets(%arg5 : memref<5000xi32, #tpu.memory_space<vmem>>) semaphore(%run_scoped3A : memref<!tpu.dma_semaphore, #tpu.memory_space<semaphore_mem>>) {add = true}
      %dma_wait3A = arith.constant 0 : i32
      %dma_wait3A_18 = arith.constant 0 : i32
      %dma_wait3A_19 = tpu.memref_slice %arg8[%dma_wait3A, %dma_wait3A_18] : memref<10000x16xf32, #tpu.memory_space<vmem_shared>> -> memref<10000x16xf32, #tpu.memory_space<vmem_shared>>
      tpu.wait_indirect_dma semaphore(%run_scoped3A : memref<!tpu.dma_semaphore, #tpu.memory_space<semaphore_mem>>) src(%arg6 : memref<5000x16xf32, #tpu.memory_space<vmem>>) dst(%dma_wait3A_19 : memref<10000x16xf32, #tpu.memory_space<vmem_shared>>)
      tpu.yield
    }) : () -> ()
    %barrier3A_11 = arith.constant 0 : index
    tpu.barrier barrier_id(%barrier3A_11)
    %mul3A_12 = arith.constant 625 : i32
    %mul3A_13 = arith.muli %arg1, %mul3A_12 : i32
    "tpu.region"() ({
      %run_scoped3A = tpu.sem_alloc : memref<!tpu.dma_semaphore, #tpu.memory_space<semaphore_mem>>
      %dma_start3A = arith.constant 0 : i32
      %dma_start3A_16 = tpu.memref_slice %arg8[%mul3A_13, %dma_start3A] : memref<10000x16xf32, #tpu.memory_space<vmem_shared>> -> memref<625x16xf32, #tpu.memory_space<vmem_shared>>
      %dma_start3A_17 = arith.constant 0 : i32
      %dma_start3A_18 = tpu.memref_slice %arg8[%mul3A_13, %dma_start3A_17] : memref<10000x16xf32, #tpu.memory_space<vmem_shared>> -> memref<625x16xf32, #tpu.memory_space<vmem_shared>>
      tpu.enqueue_dma source(%dma_start3A_18 : memref<625x16xf32, #tpu.memory_space<vmem_shared>>) target(%arg7 : memref<625x16xf32, #tpu.memory_space<vmem>>) target_semaphore(%run_scoped3A : memref<!tpu.dma_semaphore, #tpu.memory_space<semaphore_mem>>)
      %dma_wait3A = arith.constant 0 : i32
      %dma_wait3A_19 = tpu.memref_slice %arg8[%mul3A_13, %dma_wait3A] : memref<10000x16xf32, #tpu.memory_space<vmem_shared>> -> memref<625x16xf32, #tpu.memory_space<vmem_shared>>
      %dma_wait3A_20 = arith.constant 0 : i32
      %dma_wait3A_21 = tpu.memref_slice %arg8[%mul3A_13, %dma_wait3A_20] : memref<10000x16xf32, #tpu.memory_space<vmem_shared>> -> memref<625x16xf32, #tpu.memory_space<vmem_shared>>
      tpu.wait_dma2 semaphore(%run_scoped3A : memref<!tpu.dma_semaphore, #tpu.memory_space<semaphore_mem>>) src(%dma_wait3A_21 : memref<625x16xf32, #tpu.memory_space<vmem_shared>>) dst(%arg7 : memref<625x16xf32, #tpu.memory_space<vmem>>)
      tpu.yield
    }) : () -> ()
    %mul3A_14 = arith.constant 625 : i32
    %mul3A_15 = arith.muli %arg1, %mul3A_14 : i32
    "tpu.region"() ({
      %run_scoped3A = tpu.sem_alloc : memref<!tpu.dma_semaphore, #tpu.memory_space<semaphore_mem>>
      %dma_start3A = arith.constant 0 : i32
      %dma_start3A_16 = tpu.memref_slice %arg4[%arg0, %mul3A_15, %dma_start3A] : memref<2x10000x16xf32, #tpu.memory_space<hbm>> -> memref<1x625x16xf32, #tpu.memory_space<hbm>>
      %dma_start3A_17 = tpu.memref_squeeze %dma_start3A_16 : memref<1x625x16xf32, #tpu.memory_space<hbm>> -> memref<625x16xf32, #tpu.memory_space<hbm>>
      %dma_start3A_18 = arith.constant 0 : i32
      %dma_start3A_19 = tpu.memref_slice %arg4[%arg0, %mul3A_15, %dma_start3A_18] : memref<2x10000x16xf32, #tpu.memory_space<hbm>> -> memref<1x625x16xf32, #tpu.memory_space<hbm>>
      %dma_start3A_20 = tpu.memref_squeeze %dma_start3A_19 : memref<1x625x16xf32, #tpu.memory_space<hbm>> -> memref<625x16xf32, #tpu.memory_space<hbm>>
      tpu.enqueue_dma source(%arg7 : memref<625x16xf32, #tpu.memory_space<vmem>>) target(%dma_start3A_20 : memref<625x16xf32, #tpu.memory_space<hbm>>) target_semaphore(%run_scoped3A : memref<!tpu.dma_semaphore, #tpu.memory_space<semaphore_mem>>)
      %dma_wait3A = arith.constant 0 : i32
      %dma_wait3A_21 = tpu.memref_slice %arg4[%arg0, %mul3A_15, %dma_wait3A] : memref<2x10000x16xf32, #tpu.memory_space<hbm>> -> memref<1x625x16xf32, #tpu.memory_space<hbm>>
      %dma_wait3A_22 = tpu.memref_squeeze %dma_wait3A_21 : memref<1x625x16xf32, #tpu.memory_space<hbm>> -> memref<625x16xf32, #tpu.memory_space<hbm>>
      %dma_wait3A_23 = arith.constant 0 : i32
      %dma_wait3A_24 = tpu.memref_slice %arg4[%arg0, %mul3A_15, %dma_wait3A_23] : memref<2x10000x16xf32, #tpu.memory_space<hbm>> -> memref<1x625x16xf32, #tpu.memory_space<hbm>>
      %dma_wait3A_25 = tpu.memref_squeeze %dma_wait3A_24 : memref<1x625x16xf32, #tpu.memory_space<hbm>> -> memref<625x16xf32, #tpu.memory_space<hbm>>
      tpu.wait_dma2 semaphore(%run_scoped3A : memref<!tpu.dma_semaphore, #tpu.memory_space<semaphore_mem>>) src(%arg7 : memref<625x16xf32, #tpu.memory_space<vmem>>) dst(%dma_wait3A_25 : memref<625x16xf32, #tpu.memory_space<hbm>>)
      tpu.yield
    }) : () -> ()
    return
  }
}

#map = affine_map<(d0, d1) -> (0, 0)>
#map1 = affine_map<(d0, d1) -> (0)>
module attributes {stable_mosaic.version = 14 : i64} {
  func.func @k(%arg0: i32, %arg1: i32, %arg2: memref<10000x16xf32, #tpu.memory_space<hbm>>, %arg3: memref<160000xi32, #tpu.memory_space<hbm>>, %arg4: memref<160000x16xf32, #tpu.memory_space<hbm>>, %arg5: memref<5000xi32, #tpu.memory_space<vmem>>, %arg6: memref<5000x16xf32, #tpu.memory_space<vmem>>, %arg7: memref<!tpu.dma_semaphore, #tpu.memory_space<semaphore_mem>>) attributes {dimension_semantics = [#tpu.dimension_semantics<core_parallel>, #tpu.dimension_semantics<subcore_parallel>], iteration_bounds = array<i64: 2, 16>, scalar_prefetch = 0 : i64, scratch_operands = 3 : i64, tpu.core_type = #tpu.core_type<sc_vector_subcore>, window_params = [{transform_indices = #map}, {transform_indices = #map1}, {transform_indices = #map}]} {
    %mul3A = arith.constant 2 : i32
    %mul3A_0 = arith.muli %arg1, %mul3A : i32
    %add3A = arith.addi %mul3A_0, %arg0 : i32
    %mul3A_1 = arith.constant 5000 : i32
    %mul3A_2 = arith.muli %add3A, %mul3A_1 : i32
    "tpu.region"() ({
      %run_scoped3A = tpu.sem_alloc : memref<!tpu.dma_semaphore, #tpu.memory_space<semaphore_mem>>
      %dma_start3A_7 = tpu.memref_slice %arg3[%mul3A_2] : memref<160000xi32, #tpu.memory_space<hbm>> -> memref<5000xi32, #tpu.memory_space<hbm>>
      %dma_start3A_8 = tpu.memref_slice %arg3[%mul3A_2] : memref<160000xi32, #tpu.memory_space<hbm>> -> memref<5000xi32, #tpu.memory_space<hbm>>
      tpu.enqueue_dma source(%dma_start3A_8 : memref<5000xi32, #tpu.memory_space<hbm>>) target(%arg5 : memref<5000xi32, #tpu.memory_space<vmem>>) target_semaphore(%run_scoped3A : memref<!tpu.dma_semaphore, #tpu.memory_space<semaphore_mem>>)
      %dma_wait3A_9 = tpu.memref_slice %arg3[%mul3A_2] : memref<160000xi32, #tpu.memory_space<hbm>> -> memref<5000xi32, #tpu.memory_space<hbm>>
      %dma_wait3A_10 = tpu.memref_slice %arg3[%mul3A_2] : memref<160000xi32, #tpu.memory_space<hbm>> -> memref<5000xi32, #tpu.memory_space<hbm>>
      tpu.wait_dma2 semaphore(%run_scoped3A : memref<!tpu.dma_semaphore, #tpu.memory_space<semaphore_mem>>) src(%dma_wait3A_10 : memref<5000xi32, #tpu.memory_space<hbm>>) dst(%arg5 : memref<5000xi32, #tpu.memory_space<vmem>>)
      tpu.yield
    }) : () -> ()
    %dma_start3A = arith.constant 0 : i32
    %dma_start3A_3 = arith.constant 0 : i32
    %dma_start3A_4 = tpu.memref_slice %arg2[%dma_start3A, %dma_start3A_3] : memref<10000x16xf32, #tpu.memory_space<hbm>> -> memref<10000x16xf32, #tpu.memory_space<hbm>>
    tpu.enqueue_indirect_dma source(%dma_start3A_4 : memref<10000x16xf32, #tpu.memory_space<hbm>>) target(%arg6 : memref<5000x16xf32, #tpu.memory_space<vmem>>) offsets(%arg5 : memref<5000xi32, #tpu.memory_space<vmem>>) semaphore(%arg7 : memref<!tpu.dma_semaphore, #tpu.memory_space<semaphore_mem>>)
    %dma_wait3A = arith.constant 0 : i32
    %dma_wait3A_5 = arith.constant 0 : i32
    %dma_wait3A_6 = tpu.memref_slice %arg2[%dma_wait3A, %dma_wait3A_5] : memref<10000x16xf32, #tpu.memory_space<hbm>> -> memref<10000x16xf32, #tpu.memory_space<hbm>>
    tpu.wait_indirect_dma semaphore(%arg7 : memref<!tpu.dma_semaphore, #tpu.memory_space<semaphore_mem>>) src(%dma_wait3A_6 : memref<10000x16xf32, #tpu.memory_space<hbm>>) dst(%arg6 : memref<5000x16xf32, #tpu.memory_space<vmem>>)
    "tpu.region"() ({
      %run_scoped3A = tpu.sem_alloc : memref<!tpu.dma_semaphore, #tpu.memory_space<semaphore_mem>>
      %dma_start3A_7 = arith.constant 0 : i32
      %dma_start3A_8 = tpu.memref_slice %arg4[%mul3A_2, %dma_start3A_7] : memref<160000x16xf32, #tpu.memory_space<hbm>> -> memref<5000x16xf32, #tpu.memory_space<hbm>>
      %dma_start3A_9 = arith.constant 0 : i32
      %dma_start3A_10 = tpu.memref_slice %arg4[%mul3A_2, %dma_start3A_9] : memref<160000x16xf32, #tpu.memory_space<hbm>> -> memref<5000x16xf32, #tpu.memory_space<hbm>>
      tpu.enqueue_dma source(%arg6 : memref<5000x16xf32, #tpu.memory_space<vmem>>) target(%dma_start3A_10 : memref<5000x16xf32, #tpu.memory_space<hbm>>) target_semaphore(%run_scoped3A : memref<!tpu.dma_semaphore, #tpu.memory_space<semaphore_mem>>)
      %dma_wait3A_11 = arith.constant 0 : i32
      %dma_wait3A_12 = tpu.memref_slice %arg4[%mul3A_2, %dma_wait3A_11] : memref<160000x16xf32, #tpu.memory_space<hbm>> -> memref<5000x16xf32, #tpu.memory_space<hbm>>
      %dma_wait3A_13 = arith.constant 0 : i32
      %dma_wait3A_14 = tpu.memref_slice %arg4[%mul3A_2, %dma_wait3A_13] : memref<160000x16xf32, #tpu.memory_space<hbm>> -> memref<5000x16xf32, #tpu.memory_space<hbm>>
      tpu.wait_dma2 semaphore(%run_scoped3A : memref<!tpu.dma_semaphore, #tpu.memory_space<semaphore_mem>>) src(%arg6 : memref<5000x16xf32, #tpu.memory_space<vmem>>) dst(%dma_wait3A_14 : memref<5000x16xf32, #tpu.memory_space<hbm>>)
      tpu.yield
    }) : () -> ()
    return
  }
}

#map = affine_map<(d0, d1) -> (0, 0)>
#map1 = affine_map<(d0, d1) -> (0)>
module attributes {stable_mosaic.version = 14 : i64} {
  func.func @k(%arg0: i32, %arg1: i32, %arg2: memref<10000x16xf32, #tpu.memory_space<hbm>>, %arg3: memref<160000xi32, #tpu.memory_space<hbm>>, %arg4: memref<160000x16xf32, #tpu.memory_space<hbm>>, %arg5: memref<5000xi32, #tpu.memory_space<vmem>>, %arg6: memref<5000x16xf32, #tpu.memory_space<vmem>>, %arg7: memref<!tpu.dma_semaphore, #tpu.memory_space<semaphore_mem>>) attributes {dimension_semantics = [#tpu.dimension_semantics<core_parallel>, #tpu.dimension_semantics<subcore_parallel>], iteration_bounds = array<i64: 2, 16>, scalar_prefetch = 0 : i64, scratch_operands = 3 : i64, tpu.core_type = #tpu.core_type<sc_vector_subcore>, window_params = [{transform_indices = #map}, {transform_indices = #map1}, {transform_indices = #map}]} {
    %mul3A = arith.constant 2 : i32
    %mul3A_0 = arith.muli %arg1, %mul3A : i32
    %add3A = arith.addi %mul3A_0, %arg0 : i32
    %mul3A_1 = arith.constant 5000 : i32
    %mul3A_2 = arith.muli %add3A, %mul3A_1 : i32
    "tpu.region"() ({
      %run_scoped3A = tpu.sem_alloc : memref<!tpu.dma_semaphore, #tpu.memory_space<semaphore_mem>>
      %dma_start3A_7 = tpu.memref_slice %arg3[%mul3A_2] : memref<160000xi32, #tpu.memory_space<hbm>> -> memref<5000xi32, #tpu.memory_space<hbm>>
      %dma_start3A_8 = tpu.memref_slice %arg3[%mul3A_2] : memref<160000xi32, #tpu.memory_space<hbm>> -> memref<5000xi32, #tpu.memory_space<hbm>>
      tpu.enqueue_dma source(%dma_start3A_8 : memref<5000xi32, #tpu.memory_space<hbm>>) target(%arg5 : memref<5000xi32, #tpu.memory_space<vmem>>) target_semaphore(%run_scoped3A : memref<!tpu.dma_semaphore, #tpu.memory_space<semaphore_mem>>)
      %dma_wait3A_9 = tpu.memref_slice %arg3[%mul3A_2] : memref<160000xi32, #tpu.memory_space<hbm>> -> memref<5000xi32, #tpu.memory_space<hbm>>
      %dma_wait3A_10 = tpu.memref_slice %arg3[%mul3A_2] : memref<160000xi32, #tpu.memory_space<hbm>> -> memref<5000xi32, #tpu.memory_space<hbm>>
      tpu.wait_dma2 semaphore(%run_scoped3A : memref<!tpu.dma_semaphore, #tpu.memory_space<semaphore_mem>>) src(%dma_wait3A_10 : memref<5000xi32, #tpu.memory_space<hbm>>) dst(%arg5 : memref<5000xi32, #tpu.memory_space<vmem>>)
      tpu.yield
    }) : () -> ()
    %dma_start3A = arith.constant 0 : i32
    %dma_start3A_3 = arith.constant 0 : i32
    %dma_start3A_4 = tpu.memref_slice %arg2[%dma_start3A, %dma_start3A_3] : memref<10000x16xf32, #tpu.memory_space<hbm>> -> memref<10000x16xf32, #tpu.memory_space<hbm>>
    tpu.enqueue_indirect_dma source(%dma_start3A_4 : memref<10000x16xf32, #tpu.memory_space<hbm>>) target(%arg6 : memref<5000x16xf32, #tpu.memory_space<vmem>>) offsets(%arg5 : memref<5000xi32, #tpu.memory_space<vmem>>) semaphore(%arg7 : memref<!tpu.dma_semaphore, #tpu.memory_space<semaphore_mem>>)
    %dma_wait3A = arith.constant 0 : i32
    %dma_wait3A_5 = arith.constant 0 : i32
    %dma_wait3A_6 = tpu.memref_slice %arg2[%dma_wait3A, %dma_wait3A_5] : memref<10000x16xf32, #tpu.memory_space<hbm>> -> memref<10000x16xf32, #tpu.memory_space<hbm>>
    tpu.wait_indirect_dma semaphore(%arg7 : memref<!tpu.dma_semaphore, #tpu.memory_space<semaphore_mem>>) src(%dma_wait3A_6 : memref<10000x16xf32, #tpu.memory_space<hbm>>) dst(%arg6 : memref<5000x16xf32, #tpu.memory_space<vmem>>)
    "tpu.region"() ({
      %run_scoped3A = tpu.sem_alloc : memref<!tpu.dma_semaphore, #tpu.memory_space<semaphore_mem>>
      %dma_start3A_7 = arith.constant 0 : i32
      %dma_start3A_8 = tpu.memref_slice %arg4[%mul3A_2, %dma_start3A_7] : memref<160000x16xf32, #tpu.memory_space<hbm>> -> memref<5000x16xf32, #tpu.memory_space<hbm>>
      %dma_start3A_9 = arith.constant 0 : i32
      %dma_start3A_10 = tpu.memref_slice %arg4[%mul3A_2, %dma_start3A_9] : memref<160000x16xf32, #tpu.memory_space<hbm>> -> memref<5000x16xf32, #tpu.memory_space<hbm>>
      tpu.enqueue_dma source(%arg6 : memref<5000x16xf32, #tpu.memory_space<vmem>>) target(%dma_start3A_10 : memref<5000x16xf32, #tpu.memory_space<hbm>>) target_semaphore(%run_scoped3A : memref<!tpu.dma_semaphore, #tpu.memory_space<semaphore_mem>>)
      %dma_wait3A_11 = arith.constant 0 : i32
      %dma_wait3A_12 = tpu.memref_slice %arg4[%mul3A_2, %dma_wait3A_11] : memref<160000x16xf32, #tpu.memory_space<hbm>> -> memref<5000x16xf32, #tpu.memory_space<hbm>>
      %dma_wait3A_13 = arith.constant 0 : i32
      %dma_wait3A_14 = tpu.memref_slice %arg4[%mul3A_2, %dma_wait3A_13] : memref<160000x16xf32, #tpu.memory_space<hbm>> -> memref<5000x16xf32, #tpu.memory_space<hbm>>
      tpu.wait_dma2 semaphore(%run_scoped3A : memref<!tpu.dma_semaphore, #tpu.memory_space<semaphore_mem>>) src(%arg6 : memref<5000x16xf32, #tpu.memory_space<vmem>>) dst(%dma_wait3A_14 : memref<5000x16xf32, #tpu.memory_space<hbm>>)
      tpu.yield
    }) : () -> ()
    return
  }
}

#map = affine_map<(d0, d1) -> (0, 0)>
#map1 = affine_map<(d0, d1) -> (0)>
module attributes {stable_mosaic.version = 14 : i64} {
  func.func @k(%arg0: i32, %arg1: i32, %arg2: memref<10000x16xf32, #tpu.memory_space<hbm>>, %arg3: memref<160000xi32, #tpu.memory_space<hbm>>, %arg4: memref<160000x16xf32, #tpu.memory_space<hbm>>, %arg5: memref<5000xi32, #tpu.memory_space<vmem>>, %arg6: memref<5000x16xf32, #tpu.memory_space<vmem>>, %arg7: memref<!tpu.dma_semaphore, #tpu.memory_space<semaphore_mem>>) attributes {dimension_semantics = [#tpu.dimension_semantics<core_parallel>, #tpu.dimension_semantics<subcore_parallel>], iteration_bounds = array<i64: 2, 16>, scalar_prefetch = 0 : i64, scratch_operands = 3 : i64, tpu.core_type = #tpu.core_type<sc_vector_subcore>, window_params = [{transform_indices = #map}, {transform_indices = #map1}, {transform_indices = #map}]} {
    %mul3A = arith.constant 2 : i32
    %mul3A_0 = arith.muli %arg1, %mul3A : i32
    %add3A = arith.addi %mul3A_0, %arg0 : i32
    %mul3A_1 = arith.constant 5000 : i32
    %mul3A_2 = arith.muli %add3A, %mul3A_1 : i32
    "tpu.region"() ({
      %run_scoped3A = tpu.sem_alloc : memref<!tpu.dma_semaphore, #tpu.memory_space<semaphore_mem>>
      %dma_start3A_7 = tpu.memref_slice %arg3[%mul3A_2] : memref<160000xi32, #tpu.memory_space<hbm>> -> memref<5000xi32, #tpu.memory_space<hbm>>
      %dma_start3A_8 = tpu.memref_slice %arg3[%mul3A_2] : memref<160000xi32, #tpu.memory_space<hbm>> -> memref<5000xi32, #tpu.memory_space<hbm>>
      tpu.enqueue_dma source(%dma_start3A_8 : memref<5000xi32, #tpu.memory_space<hbm>>) target(%arg5 : memref<5000xi32, #tpu.memory_space<vmem>>) target_semaphore(%run_scoped3A : memref<!tpu.dma_semaphore, #tpu.memory_space<semaphore_mem>>)
      %dma_wait3A_9 = tpu.memref_slice %arg3[%mul3A_2] : memref<160000xi32, #tpu.memory_space<hbm>> -> memref<5000xi32, #tpu.memory_space<hbm>>
      %dma_wait3A_10 = tpu.memref_slice %arg3[%mul3A_2] : memref<160000xi32, #tpu.memory_space<hbm>> -> memref<5000xi32, #tpu.memory_space<hbm>>
      tpu.wait_dma2 semaphore(%run_scoped3A : memref<!tpu.dma_semaphore, #tpu.memory_space<semaphore_mem>>) src(%dma_wait3A_10 : memref<5000xi32, #tpu.memory_space<hbm>>) dst(%arg5 : memref<5000xi32, #tpu.memory_space<vmem>>)
      tpu.yield
    }) : () -> ()
    %dma_start3A = arith.constant 0 : i32
    %dma_start3A_3 = arith.constant 0 : i32
    %dma_start3A_4 = tpu.memref_slice %arg2[%dma_start3A, %dma_start3A_3] : memref<10000x16xf32, #tpu.memory_space<hbm>> -> memref<10000x16xf32, #tpu.memory_space<hbm>>
    tpu.enqueue_indirect_dma source(%dma_start3A_4 : memref<10000x16xf32, #tpu.memory_space<hbm>>) target(%arg6 : memref<5000x16xf32, #tpu.memory_space<vmem>>) offsets(%arg5 : memref<5000xi32, #tpu.memory_space<vmem>>) semaphore(%arg7 : memref<!tpu.dma_semaphore, #tpu.memory_space<semaphore_mem>>)
    %dma_wait3A = arith.constant 0 : i32
    %dma_wait3A_5 = arith.constant 0 : i32
    %dma_wait3A_6 = tpu.memref_slice %arg2[%dma_wait3A, %dma_wait3A_5] : memref<10000x16xf32, #tpu.memory_space<hbm>> -> memref<10000x16xf32, #tpu.memory_space<hbm>>
    tpu.wait_indirect_dma semaphore(%arg7 : memref<!tpu.dma_semaphore, #tpu.memory_space<semaphore_mem>>) src(%dma_wait3A_6 : memref<10000x16xf32, #tpu.memory_space<hbm>>) dst(%arg6 : memref<5000x16xf32, #tpu.memory_space<vmem>>)
    "tpu.region"() ({
      %run_scoped3A = tpu.sem_alloc : memref<!tpu.dma_semaphore, #tpu.memory_space<semaphore_mem>>
      %dma_start3A_7 = arith.constant 0 : i32
      %dma_start3A_8 = tpu.memref_slice %arg4[%mul3A_2, %dma_start3A_7] : memref<160000x16xf32, #tpu.memory_space<hbm>> -> memref<5000x16xf32, #tpu.memory_space<hbm>>
      %dma_start3A_9 = arith.constant 0 : i32
      %dma_start3A_10 = tpu.memref_slice %arg4[%mul3A_2, %dma_start3A_9] : memref<160000x16xf32, #tpu.memory_space<hbm>> -> memref<5000x16xf32, #tpu.memory_space<hbm>>
      tpu.enqueue_dma source(%arg6 : memref<5000x16xf32, #tpu.memory_space<vmem>>) target(%dma_start3A_10 : memref<5000x16xf32, #tpu.memory_space<hbm>>) target_semaphore(%run_scoped3A : memref<!tpu.dma_semaphore, #tpu.memory_space<semaphore_mem>>)
      %dma_wait3A_11 = arith.constant 0 : i32
      %dma_wait3A_12 = tpu.memref_slice %arg4[%mul3A_2, %dma_wait3A_11] : memref<160000x16xf32, #tpu.memory_space<hbm>> -> memref<5000x16xf32, #tpu.memory_space<hbm>>
      %dma_wait3A_13 = arith.constant 0 : i32
      %dma_wait3A_14 = tpu.memref_slice %arg4[%mul3A_2, %dma_wait3A_13] : memref<160000x16xf32, #tpu.memory_space<hbm>> -> memref<5000x16xf32, #tpu.memory_space<hbm>>
      tpu.wait_dma2 semaphore(%run_scoped3A : memref<!tpu.dma_semaphore, #tpu.memory_space<semaphore_mem>>) src(%arg6 : memref<5000x16xf32, #tpu.memory_space<vmem>>) dst(%dma_wait3A_14 : memref<5000x16xf32, #tpu.memory_space<hbm>>)
      tpu.yield
    }) : () -> ()
    return
  }
}

#map = affine_map<(d0, d1) -> (0, 0)>
#map1 = affine_map<(d0, d1) -> (0)>
module attributes {stable_mosaic.version = 14 : i64} {
  func.func @k(%arg0: i32, %arg1: i32, %arg2: memref<10000x16xf32, #tpu.memory_space<hbm>>, %arg3: memref<160000xi32, #tpu.memory_space<hbm>>, %arg4: memref<160000x16xf32, #tpu.memory_space<hbm>>, %arg5: memref<5000xi32, #tpu.memory_space<vmem>>, %arg6: memref<5000x16xf32, #tpu.memory_space<vmem>>, %arg7: memref<!tpu.dma_semaphore, #tpu.memory_space<semaphore_mem>>) attributes {dimension_semantics = [#tpu.dimension_semantics<core_parallel>, #tpu.dimension_semantics<subcore_parallel>], iteration_bounds = array<i64: 2, 16>, scalar_prefetch = 0 : i64, scratch_operands = 3 : i64, tpu.core_type = #tpu.core_type<sc_vector_subcore>, window_params = [{transform_indices = #map}, {transform_indices = #map1}, {transform_indices = #map}]} {
    %mul3A = arith.constant 2 : i32
    %mul3A_0 = arith.muli %arg1, %mul3A : i32
    %add3A = arith.addi %mul3A_0, %arg0 : i32
    %mul3A_1 = arith.constant 5000 : i32
    %mul3A_2 = arith.muli %add3A, %mul3A_1 : i32
    "tpu.region"() ({
      %run_scoped3A = tpu.sem_alloc : memref<!tpu.dma_semaphore, #tpu.memory_space<semaphore_mem>>
      %dma_start3A_7 = tpu.memref_slice %arg3[%mul3A_2] : memref<160000xi32, #tpu.memory_space<hbm>> -> memref<5000xi32, #tpu.memory_space<hbm>>
      %dma_start3A_8 = tpu.memref_slice %arg3[%mul3A_2] : memref<160000xi32, #tpu.memory_space<hbm>> -> memref<5000xi32, #tpu.memory_space<hbm>>
      tpu.enqueue_dma source(%dma_start3A_8 : memref<5000xi32, #tpu.memory_space<hbm>>) target(%arg5 : memref<5000xi32, #tpu.memory_space<vmem>>) target_semaphore(%run_scoped3A : memref<!tpu.dma_semaphore, #tpu.memory_space<semaphore_mem>>)
      %dma_wait3A_9 = tpu.memref_slice %arg3[%mul3A_2] : memref<160000xi32, #tpu.memory_space<hbm>> -> memref<5000xi32, #tpu.memory_space<hbm>>
      %dma_wait3A_10 = tpu.memref_slice %arg3[%mul3A_2] : memref<160000xi32, #tpu.memory_space<hbm>> -> memref<5000xi32, #tpu.memory_space<hbm>>
      tpu.wait_dma2 semaphore(%run_scoped3A : memref<!tpu.dma_semaphore, #tpu.memory_space<semaphore_mem>>) src(%dma_wait3A_10 : memref<5000xi32, #tpu.memory_space<hbm>>) dst(%arg5 : memref<5000xi32, #tpu.memory_space<vmem>>)
      tpu.yield
    }) : () -> ()
    %dma_start3A = arith.constant 0 : i32
    %dma_start3A_3 = arith.constant 0 : i32
    %dma_start3A_4 = tpu.memref_slice %arg2[%dma_start3A, %dma_start3A_3] : memref<10000x16xf32, #tpu.memory_space<hbm>> -> memref<10000x16xf32, #tpu.memory_space<hbm>>
    tpu.enqueue_indirect_dma source(%dma_start3A_4 : memref<10000x16xf32, #tpu.memory_space<hbm>>) target(%arg6 : memref<5000x16xf32, #tpu.memory_space<vmem>>) offsets(%arg5 : memref<5000xi32, #tpu.memory_space<vmem>>) semaphore(%arg7 : memref<!tpu.dma_semaphore, #tpu.memory_space<semaphore_mem>>)
    %dma_wait3A = arith.constant 0 : i32
    %dma_wait3A_5 = arith.constant 0 : i32
    %dma_wait3A_6 = tpu.memref_slice %arg2[%dma_wait3A, %dma_wait3A_5] : memref<10000x16xf32, #tpu.memory_space<hbm>> -> memref<10000x16xf32, #tpu.memory_space<hbm>>
    tpu.wait_indirect_dma semaphore(%arg7 : memref<!tpu.dma_semaphore, #tpu.memory_space<semaphore_mem>>) src(%dma_wait3A_6 : memref<10000x16xf32, #tpu.memory_space<hbm>>) dst(%arg6 : memref<5000x16xf32, #tpu.memory_space<vmem>>)
    "tpu.region"() ({
      %run_scoped3A = tpu.sem_alloc : memref<!tpu.dma_semaphore, #tpu.memory_space<semaphore_mem>>
      %dma_start3A_7 = arith.constant 0 : i32
      %dma_start3A_8 = tpu.memref_slice %arg4[%mul3A_2, %dma_start3A_7] : memref<160000x16xf32, #tpu.memory_space<hbm>> -> memref<5000x16xf32, #tpu.memory_space<hbm>>
      %dma_start3A_9 = arith.constant 0 : i32
      %dma_start3A_10 = tpu.memref_slice %arg4[%mul3A_2, %dma_start3A_9] : memref<160000x16xf32, #tpu.memory_space<hbm>> -> memref<5000x16xf32, #tpu.memory_space<hbm>>
      tpu.enqueue_dma source(%arg6 : memref<5000x16xf32, #tpu.memory_space<vmem>>) target(%dma_start3A_10 : memref<5000x16xf32, #tpu.memory_space<hbm>>) target_semaphore(%run_scoped3A : memref<!tpu.dma_semaphore, #tpu.memory_space<semaphore_mem>>)
      %dma_wait3A_11 = arith.constant 0 : i32
      %dma_wait3A_12 = tpu.memref_slice %arg4[%mul3A_2, %dma_wait3A_11] : memref<160000x16xf32, #tpu.memory_space<hbm>> -> memref<5000x16xf32, #tpu.memory_space<hbm>>
      %dma_wait3A_13 = arith.constant 0 : i32
      %dma_wait3A_14 = tpu.memref_slice %arg4[%mul3A_2, %dma_wait3A_13] : memref<160000x16xf32, #tpu.memory_space<hbm>> -> memref<5000x16xf32, #tpu.memory_space<hbm>>
      tpu.wait_dma2 semaphore(%run_scoped3A : memref<!tpu.dma_semaphore, #tpu.memory_space<semaphore_mem>>) src(%arg6 : memref<5000x16xf32, #tpu.memory_space<vmem>>) dst(%dma_wait3A_14 : memref<5000x16xf32, #tpu.memory_space<hbm>>)
      tpu.yield
    }) : () -> ()
    return
  }
}

#map = affine_map<(d0, d1) -> (0, 0)>
#map1 = affine_map<(d0, d1) -> (0)>
#map2 = affine_map<(d0, d1) -> (0, 0, 0)>
module attributes {stable_mosaic.version = 14 : i64} {
  func.func @k(%arg0: i32, %arg1: i32, %arg2: memref<160000x16xf32, #tpu.memory_space<hbm>>, %arg3: memref<160000xi32, #tpu.memory_space<hbm>>, %arg4: memref<2x10000x16xf32, #tpu.memory_space<hbm>>, %arg5: memref<5000xi32, #tpu.memory_space<vmem>>, %arg6: memref<5000x16xf32, #tpu.memory_space<vmem>>, %arg7: memref<625x16xf32, #tpu.memory_space<vmem>>, %arg8: memref<10000x16xf32, #tpu.memory_space<vmem_shared>>, %arg9: memref<!tpu.dma_semaphore, #tpu.memory_space<semaphore_mem>>) attributes {dimension_semantics = [#tpu.dimension_semantics<core_parallel>, #tpu.dimension_semantics<subcore_parallel>], iteration_bounds = array<i64: 2, 16>, scalar_prefetch = 0 : i64, scratch_operands = 5 : i64, tpu.core_type = #tpu.core_type<sc_vector_subcore>, window_params = [{transform_indices = #map}, {transform_indices = #map1}, {transform_indices = #map2}]} {
    %mul3A = arith.constant 2 : i32
    %mul3A_0 = arith.muli %arg1, %mul3A : i32
    %add3A = arith.addi %mul3A_0, %arg0 : i32
    %scan3A = arith.constant 0 : i32
    %scan3A_1 = arith.constant 0 : i32
    %scan3A_2 = arith.constant 625 : i32
    %scan3A_3 = arith.addi %scan3A_1, %scan3A_2 : i32
    %scan3A_4 = arith.constant 1 : i32
    %scan3A_5 = scf.for %scan3A_16 = %scan3A_1 to %scan3A_3 step %scan3A_4 iter_args(%scan3A_17 = %scan3A) -> (i32)  : i32 {
      %broadcast_in_dim3A = arith.constant 0.000000e+00 : f32
      %broadcast_in_dim3A_18 = vector.broadcast %broadcast_in_dim3A : f32 to vector<16xf32>
      %swap3A = arith.index_cast %scan3A_16 : i32 to index
      %swap3A_19 = arith.constant 0 : index
      %swap3A_20 = tpu.vector_load %arg7[%swap3A, %swap3A_19] {strides = array<i32>} : memref<625x16xf32, #tpu.memory_space<vmem>>, vector<1x16xf32>,
      %swap3A_21 = vector.shape_cast %swap3A_20 : vector<1x16xf32> to vector<16xf32>
      %swap3A_22 = vector.shape_cast %broadcast_in_dim3A_18 : vector<16xf32> to vector<1x16xf32>
      tpu.vector_store %arg7[%swap3A, %swap3A_19], %swap3A_22 {strides = array<i32>} : memref<625x16xf32, #tpu.memory_space<vmem>>, vector<1x16xf32>,
      %scan3A_23 = arith.constant 0 : i32
      scf.yield %scan3A_23 : i32
    }
    %scan3A_6 = arith.constant 625 : i32
    %mul3A_7 = arith.constant 625 : i32
    %mul3A_8 = arith.muli %arg1, %mul3A_7 : i32
    "tpu.region"() ({
      %run_scoped3A = tpu.sem_alloc : memref<!tpu.dma_semaphore, #tpu.memory_space<semaphore_mem>>
      %dma_start3A = arith.constant 0 : i32
      %dma_start3A_16 = tpu.memref_slice %arg8[%mul3A_8, %dma_start3A] : memref<10000x16xf32, #tpu.memory_space<vmem_shared>> -> memref<625x16xf32, #tpu.memory_space<vmem_shared>>
      %dma_start3A_17 = arith.constant 0 : i32
      %dma_start3A_18 = tpu.memref_slice %arg8[%mul3A_8, %dma_start3A_17] : memref<10000x16xf32, #tpu.memory_space<vmem_shared>> -> memref<625x16xf32, #tpu.memory_space<vmem_shared>>
      tpu.enqueue_dma source(%arg7 : memref<625x16xf32, #tpu.memory_space<vmem>>) target(%dma_start3A_18 : memref<625x16xf32, #tpu.memory_space<vmem_shared>>) target_semaphore(%run_scoped3A : memref<!tpu.dma_semaphore, #tpu.memory_space<semaphore_mem>>)
      %dma_wait3A = arith.constant 0 : i32
      %dma_wait3A_19 = tpu.memref_slice %arg8[%mul3A_8, %dma_wait3A] : memref<10000x16xf32, #tpu.memory_space<vmem_shared>> -> memref<625x16xf32, #tpu.memory_space<vmem_shared>>
      %dma_wait3A_20 = arith.constant 0 : i32
      %dma_wait3A_21 = tpu.memref_slice %arg8[%mul3A_8, %dma_wait3A_20] : memref<10000x16xf32, #tpu.memory_space<vmem_shared>> -> memref<625x16xf32, #tpu.memory_space<vmem_shared>>
      tpu.wait_dma2 semaphore(%run_scoped3A : memref<!tpu.dma_semaphore, #tpu.memory_space<semaphore_mem>>) src(%arg7 : memref<625x16xf32, #tpu.memory_space<vmem>>) dst(%dma_wait3A_21 : memref<625x16xf32, #tpu.memory_space<vmem_shared>>)
      tpu.yield
    }) : () -> ()
    %barrier3A = arith.constant 0 : index
    tpu.barrier barrier_id(%barrier3A)
    %mul3A_9 = arith.constant 5000 : i32
    %mul3A_10 = arith.muli %add3A, %mul3A_9 : i32
    "tpu.region"() ({
      %run_scoped3A = tpu.sem_alloc : memref<!tpu.dma_semaphore, #tpu.memory_space<semaphore_mem>>
      %dma_start3A = tpu.memref_slice %arg3[%mul3A_10] : memref<160000xi32, #tpu.memory_space<hbm>> -> memref<5000xi32, #tpu.memory_space<hbm>>
      %dma_start3A_16 = tpu.memref_slice %arg3[%mul3A_10] : memref<160000xi32, #tpu.memory_space<hbm>> -> memref<5000xi32, #tpu.memory_space<hbm>>
      tpu.enqueue_dma source(%dma_start3A_16 : memref<5000xi32, #tpu.memory_space<hbm>>) target(%arg5 : memref<5000xi32, #tpu.memory_space<vmem>>) target_semaphore(%run_scoped3A : memref<!tpu.dma_semaphore, #tpu.memory_space<semaphore_mem>>)
      %dma_wait3A = tpu.memref_slice %arg3[%mul3A_10] : memref<160000xi32, #tpu.memory_space<hbm>> -> memref<5000xi32, #tpu.memory_space<hbm>>
      %dma_wait3A_17 = tpu.memref_slice %arg3[%mul3A_10] : memref<160000xi32, #tpu.memory_space<hbm>> -> memref<5000xi32, #tpu.memory_space<hbm>>
      tpu.wait_dma2 semaphore(%run_scoped3A : memref<!tpu.dma_semaphore, #tpu.memory_space<semaphore_mem>>) src(%dma_wait3A_17 : memref<5000xi32, #tpu.memory_space<hbm>>) dst(%arg5 : memref<5000xi32, #tpu.memory_space<vmem>>)
      tpu.yield
    }) : () -> ()
    "tpu.region"() ({
      %run_scoped3A = tpu.sem_alloc : memref<!tpu.dma_semaphore, #tpu.memory_space<semaphore_mem>>
      %dma_start3A = arith.constant 0 : i32
      %dma_start3A_16 = tpu.memref_slice %arg2[%mul3A_10, %dma_start3A] : memref<160000x16xf32, #tpu.memory_space<hbm>> -> memref<5000x16xf32, #tpu.memory_space<hbm>>
      %dma_start3A_17 = arith.constant 0 : i32
      %dma_start3A_18 = tpu.memref_slice %arg2[%mul3A_10, %dma_start3A_17] : memref<160000x16xf32, #tpu.memory_space<hbm>> -> memref<5000x16xf32, #tpu.memory_space<hbm>>
      tpu.enqueue_dma source(%dma_start3A_18 : memref<5000x16xf32, #tpu.memory_space<hbm>>) target(%arg6 : memref<5000x16xf32, #tpu.memory_space<vmem>>) target_semaphore(%run_scoped3A : memref<!tpu.dma_semaphore, #tpu.memory_space<semaphore_mem>>)
      %dma_wait3A = arith.constant 0 : i32
      %dma_wait3A_19 = tpu.memref_slice %arg2[%mul3A_10, %dma_wait3A] : memref<160000x16xf32, #tpu.memory_space<hbm>> -> memref<5000x16xf32, #tpu.memory_space<hbm>>
      %dma_wait3A_20 = arith.constant 0 : i32
      %dma_wait3A_21 = tpu.memref_slice %arg2[%mul3A_10, %dma_wait3A_20] : memref<160000x16xf32, #tpu.memory_space<hbm>> -> memref<5000x16xf32, #tpu.memory_space<hbm>>
      tpu.wait_dma2 semaphore(%run_scoped3A : memref<!tpu.dma_semaphore, #tpu.memory_space<semaphore_mem>>) src(%dma_wait3A_21 : memref<5000x16xf32, #tpu.memory_space<hbm>>) dst(%arg6 : memref<5000x16xf32, #tpu.memory_space<vmem>>)
      tpu.yield
    }) : () -> ()
    "tpu.region"() ({
      %run_scoped3A = tpu.sem_alloc : memref<!tpu.dma_semaphore, #tpu.memory_space<semaphore_mem>>
      %dma_start3A = arith.constant 0 : i32
      %dma_start3A_16 = arith.constant 0 : i32
      %dma_start3A_17 = tpu.memref_slice %arg8[%dma_start3A, %dma_start3A_16] : memref<10000x16xf32, #tpu.memory_space<vmem_shared>> -> memref<10000x16xf32, #tpu.memory_space<vmem_shared>>
      tpu.enqueue_indirect_dma source(%arg6 : memref<5000x16xf32, #tpu.memory_space<vmem>>) target(%dma_start3A_17 : memref<10000x16xf32, #tpu.memory_space<vmem_shared>>) offsets(%arg5 : memref<5000xi32, #tpu.memory_space<vmem>>) semaphore(%run_scoped3A : memref<!tpu.dma_semaphore, #tpu.memory_space<semaphore_mem>>) {add = true}
      %dma_wait3A = arith.constant 0 : i32
      %dma_wait3A_18 = arith.constant 0 : i32
      %dma_wait3A_19 = tpu.memref_slice %arg8[%dma_wait3A, %dma_wait3A_18] : memref<10000x16xf32, #tpu.memory_space<vmem_shared>> -> memref<10000x16xf32, #tpu.memory_space<vmem_shared>>
      tpu.wait_indirect_dma semaphore(%run_scoped3A : memref<!tpu.dma_semaphore, #tpu.memory_space<semaphore_mem>>) src(%arg6 : memref<5000x16xf32, #tpu.memory_space<vmem>>) dst(%dma_wait3A_19 : memref<10000x16xf32, #tpu.memory_space<vmem_shared>>)
      tpu.yield
    }) : () -> ()
    %barrier3A_11 = arith.constant 0 : index
    tpu.barrier barrier_id(%barrier3A_11)
    %mul3A_12 = arith.constant 625 : i32
    %mul3A_13 = arith.muli %arg1, %mul3A_12 : i32
    "tpu.region"() ({
      %run_scoped3A = tpu.sem_alloc : memref<!tpu.dma_semaphore, #tpu.memory_space<semaphore_mem>>
      %dma_start3A = arith.constant 0 : i32
      %dma_start3A_16 = tpu.memref_slice %arg8[%mul3A_13, %dma_start3A] : memref<10000x16xf32, #tpu.memory_space<vmem_shared>> -> memref<625x16xf32, #tpu.memory_space<vmem_shared>>
      %dma_start3A_17 = arith.constant 0 : i32
      %dma_start3A_18 = tpu.memref_slice %arg8[%mul3A_13, %dma_start3A_17] : memref<10000x16xf32, #tpu.memory_space<vmem_shared>> -> memref<625x16xf32, #tpu.memory_space<vmem_shared>>
      tpu.enqueue_dma source(%dma_start3A_18 : memref<625x16xf32, #tpu.memory_space<vmem_shared>>) target(%arg7 : memref<625x16xf32, #tpu.memory_space<vmem>>) target_semaphore(%run_scoped3A : memref<!tpu.dma_semaphore, #tpu.memory_space<semaphore_mem>>)
      %dma_wait3A = arith.constant 0 : i32
      %dma_wait3A_19 = tpu.memref_slice %arg8[%mul3A_13, %dma_wait3A] : memref<10000x16xf32, #tpu.memory_space<vmem_shared>> -> memref<625x16xf32, #tpu.memory_space<vmem_shared>>
      %dma_wait3A_20 = arith.constant 0 : i32
      %dma_wait3A_21 = tpu.memref_slice %arg8[%mul3A_13, %dma_wait3A_20] : memref<10000x16xf32, #tpu.memory_space<vmem_shared>> -> memref<625x16xf32, #tpu.memory_space<vmem_shared>>
      tpu.wait_dma2 semaphore(%run_scoped3A : memref<!tpu.dma_semaphore, #tpu.memory_space<semaphore_mem>>) src(%dma_wait3A_21 : memref<625x16xf32, #tpu.memory_space<vmem_shared>>) dst(%arg7 : memref<625x16xf32, #tpu.memory_space<vmem>>)
      tpu.yield
    }) : () -> ()
    %mul3A_14 = arith.constant 625 : i32
    %mul3A_15 = arith.muli %arg1, %mul3A_14 : i32
    "tpu.region"() ({
      %run_scoped3A = tpu.sem_alloc : memref<!tpu.dma_semaphore, #tpu.memory_space<semaphore_mem>>
      %dma_start3A = arith.constant 0 : i32
      %dma_start3A_16 = tpu.memref_slice %arg4[%arg0, %mul3A_15, %dma_start3A] : memref<2x10000x16xf32, #tpu.memory_space<hbm>> -> memref<1x625x16xf32, #tpu.memory_space<hbm>>
      %dma_start3A_17 = tpu.memref_squeeze %dma_start3A_16 : memref<1x625x16xf32, #tpu.memory_space<hbm>> -> memref<625x16xf32, #tpu.memory_space<hbm>>
      %dma_start3A_18 = arith.constant 0 : i32
      %dma_start3A_19 = tpu.memref_slice %arg4[%arg0, %mul3A_15, %dma_start3A_18] : memref<2x10000x16xf32, #tpu.memory_space<hbm>> -> memref<1x625x16xf32, #tpu.memory_space<hbm>>
      %dma_start3A_20 = tpu.memref_squeeze %dma_start3A_19 : memref<1x625x16xf32, #tpu.memory_space<hbm>> -> memref<625x16xf32, #tpu.memory_space<hbm>>
      tpu.enqueue_dma source(%arg7 : memref<625x16xf32, #tpu.memory_space<vmem>>) target(%dma_start3A_20 : memref<625x16xf32, #tpu.memory_space<hbm>>) target_semaphore(%run_scoped3A : memref<!tpu.dma_semaphore, #tpu.memory_space<semaphore_mem>>)
      %dma_wait3A = arith.constant 0 : i32
      %dma_wait3A_21 = tpu.memref_slice %arg4[%arg0, %mul3A_15, %dma_wait3A] : memref<2x10000x16xf32, #tpu.memory_space<hbm>> -> memref<1x625x16xf32, #tpu.memory_space<hbm>>
      %dma_wait3A_22 = tpu.memref_squeeze %dma_wait3A_21 : memref<1x625x16xf32, #tpu.memory_space<hbm>> -> memref<625x16xf32, #tpu.memory_space<hbm>>
      %dma_wait3A_23 = arith.constant 0 : i32
      %dma_wait3A_24 = tpu.memref_slice %arg4[%arg0, %mul3A_15, %dma_wait3A_23] : memref<2x10000x16xf32, #tpu.memory_space<hbm>> -> memref<1x625x16xf32, #tpu.memory_space<hbm>>
      %dma_wait3A_25 = tpu.memref_squeeze %dma_wait3A_24 : memref<1x625x16xf32, #tpu.memory_space<hbm>> -> memref<625x16xf32, #tpu.memory_space<hbm>>
      tpu.wait_dma2 semaphore(%run_scoped3A : memref<!tpu.dma_semaphore, #tpu.memory_space<semaphore_mem>>) src(%arg7 : memref<625x16xf32, #tpu.memory_space<vmem>>) dst(%dma_wait3A_25 : memref<625x16xf32, #tpu.memory_space<hbm>>)
      tpu.yield
    }) : () -> ()
    return
  }
}

module attributes {stable_mosaic.version = 14 : i64} {
  func.func @_matmul_body(%arg0: memref<10000x128xf32, #tpu.memory_space<vmem>>, %arg1: memref<128x16xf32, #tpu.memory_space<vmem>>, %arg2: memref<10000x16xf32, #tpu.memory_space<vmem>>) attributes {dimension_semantics = [], scalar_prefetch = 0 : i64, scratch_operands = 0 : i64, tpu.core_type = #tpu.core_type<tc>} {
    %get3A = arith.constant 0 : index
    %get3A_0 = arith.constant 0 : index
    %get3A_1 = vector.load %arg0[%get3A, %get3A_0] : memref<10000x128xf32, #tpu.memory_space<vmem>>, vector<10000x128xf32>
    %get3A_2 = arith.constant 0 : index
    %get3A_3 = arith.constant 0 : index
    %get3A_4 = vector.load %arg1[%get3A_2, %get3A_3] : memref<128x16xf32, #tpu.memory_space<vmem>>, vector<128x16xf32>
    %dot_general3A = arith.constant dense<0.000000e+00> : vector<10000x16xf32>
    %dot_general3A_5 = tpu.matmul %get3A_1, %get3A_4, %dot_general3A {dimension_numbers = #tpu.dot_dimension_numbers<[1], [0], [0], [1], [0, 0, 1, 1], [], []>, transpose_lhs_hint = false} : vector<10000x128xf32>, vector<128x16xf32>, vector<10000x16xf32> -> vector<10000x16xf32>
    %swap3A = arith.constant 0 : index
    %swap3A_6 = arith.constant 0 : index
    %swap3A_7 = vector.load %arg2[%swap3A, %swap3A_6] : memref<10000x16xf32, #tpu.memory_space<vmem>>, vector<10000x16xf32>
    tpu.vector_store %arg2[%swap3A, %swap3A_6], %dot_general3A_5 {strides = array<i32>} : memref<10000x16xf32, #tpu.memory_space<vmem>>, vector<10000x16xf32>,
    return
  }
}

module attributes {stable_mosaic.version = 14 : i64} {
  func.func @_edge_body(%arg0: i32, %arg1: memref<1000x128xf32, #tpu.memory_space<vmem>>, %arg2: memref<1000x128xf32, #tpu.memory_space<vmem>>, %arg3: memref<1000x128xf32, #tpu.memory_space<vmem>>, %arg4: memref<128x256xf32, #tpu.memory_space<vmem>>, %arg5: memref<1x256xf32, #tpu.memory_space<vmem>>, %arg6: memref<256x256xf32, #tpu.memory_space<vmem>>, %arg7: memref<1x256xf32, #tpu.memory_space<vmem>>, %arg8: memref<32x256xf32, #tpu.memory_space<vmem>>, %arg9: memref<1x256xf32, #tpu.memory_space<vmem>>, %arg10: memref<16x256xf32, #tpu.memory_space<vmem>>, %arg11: memref<256x16xf32, #tpu.memory_space<vmem>>, %arg12: memref<128x128xf32, #tpu.memory_space<vmem>>, %arg13: memref<1000x128xf32, #tpu.memory_space<vmem>>) attributes {dimension_semantics = [#tpu.dimension_semantics<arbitrary>], iteration_bounds = array<i64: 20>, scalar_prefetch = 0 : i64, scratch_operands = 0 : i64, tpu.core_type = #tpu.core_type<tc>, window_params = [{transform_indices = @transform_0, window_bounds = array<i64: 1000, 128>}, {transform_indices = @transform_1, window_bounds = array<i64: 1000, 128>}, {transform_indices = @transform_2, window_bounds = array<i64: 1000, 128>}, {pipeline_mode = #tpu.pipeline_mode<synchronous>, transform_indices = @transform_3, window_bounds = array<i64: 128, 256>}, {pipeline_mode = #tpu.pipeline_mode<synchronous>, transform_indices = @transform_4, window_bounds = array<i64: 1, 256>}, {pipeline_mode = #tpu.pipeline_mode<synchronous>, transform_indices = @transform_5, window_bounds = array<i64: 256, 256>}, {pipeline_mode = #tpu.pipeline_mode<synchronous>, transform_indices = @transform_6, window_bounds = array<i64: 1, 256>}, {pipeline_mode = #tpu.pipeline_mode<synchronous>, transform_indices = @transform_7, window_bounds = array<i64: 32, 256>}, {pipeline_mode = #tpu.pipeline_mode<synchronous>, transform_indices = @transform_8, window_bounds = array<i64: 1, 256>}, {pipeline_mode = #tpu.pipeline_mode<synchronous>, transform_indices = @transform_9, window_bounds = array<i64: 16, 256>}, {pipeline_mode = #tpu.pipeline_mode<synchronous>, transform_indices = @transform_10, window_bounds = array<i64: 256, 16>}, {pipeline_mode = #tpu.pipeline_mode<synchronous>, transform_indices = @transform_11, window_bounds = array<i64: 128, 128>}, {transform_indices = @transform_12, window_bounds = array<i64: 1000, 128>}]} {
    %get3A = arith.constant 0 : index
    %get3A_0 = arith.constant 0 : index
    %get3A_1 = vector.load %arg1[%get3A, %get3A_0] : memref<1000x128xf32, #tpu.memory_space<vmem>>, vector<1000x128xf32>
    %get3A_2 = arith.constant 0 : index
    %get3A_3 = arith.constant 0 : index
    %get3A_4 = vector.load %arg2[%get3A_2, %get3A_3] : memref<1000x128xf32, #tpu.memory_space<vmem>>, vector<1000x128xf32>
    %get3A_5 = arith.constant 0 : index
    %get3A_6 = arith.constant 0 : index
    %get3A_7 = vector.load %arg3[%get3A_5, %get3A_6] : memref<1000x128xf32, #tpu.memory_space<vmem>>, vector<1000x128xf32>
    %sub3A = arith.subf %get3A_4, %get3A_1 : vector<1000x128xf32>
    %mul3A = arith.mulf %sub3A, %sub3A : vector<1000x128xf32>
    %get3A_8 = arith.constant 0 : index
    %get3A_9 = arith.constant 0 : index
    %get3A_10 = vector.load %arg12[%get3A_8, %get3A_9] : memref<128x128xf32, #tpu.memory_space<vmem>>, vector<128x128xf32>
    %dot_general3A = arith.constant dense<0.000000e+00> : vector<1000x128xf32>
    %dot_general3A_11 = tpu.matmul %mul3A, %get3A_10, %dot_general3A {dimension_numbers = #tpu.dot_dimension_numbers<[1], [0], [0], [1], [0, 0, 1, 1], [], []>, transpose_lhs_hint = false} : vector<1000x128xf32>, vector<128x128xf32>, vector<1000x128xf32> -> vector<1000x128xf32>
    %sqrt3A = math.sqrt %dot_general3A_11 : vector<1000x128xf32>
    %max3A = arith.constant 9.99999997E-7 : f32
    %max3A_12 = vector.broadcast %max3A : f32 to vector<1000x128xf32>
    %max3A_13 = arith.maximumf %sqrt3A, %max3A_12 : vector<1000x128xf32>
    %iota3A = tpu.iota {dimensions = array<i32: 1>} : vector<1x128xi32>
    %jit3A = arith.constant 16 : i32
    %eq3A = arith.constant 0 : i32
    %eq3A_14 = arith.cmpi eq, %jit3A, %eq3A : i32
    %jit3A_15 = arith.constant 1 : i32
    %select_n3A = arith.select %eq3A_14, %jit3A_15, %jit3A : i32
    %rem3A = vector.broadcast %select_n3A : i32 to vector<1x128xi32>
    %rem3A_16 = arith.remsi %iota3A, %rem3A : vector<1x128xi32>
    %ne3A = arith.constant 0 : i32
    %ne3A_17 = vector.broadcast %ne3A : i32 to vector<1x128xi32>
    %ne3A_18 = arith.cmpi ne, %rem3A_16, %ne3A_17 : vector<1x128xi32>
    %lt3A = arith.constant 0 : i32
    %lt3A_19 = vector.broadcast %lt3A : i32 to vector<1x128xi32>
    %lt3A_20 = arith.cmpi slt, %rem3A_16, %lt3A_19 : vector<1x128xi32>
    %lt3A_21 = arith.constant 0 : i32
    %lt3A_22 = arith.cmpi slt, %select_n3A, %lt3A_21 : i32
    %ne3A_23 = vector.broadcast %lt3A_22 : i1 to vector<1x128xi1>
    %ne3A_24 = vector.broadcast %ne3A_23 : vector<1x128xi1> to vector<1x128xi1>
    %ne3A_25 = arith.xori %lt3A_20, %ne3A_24 : vector<1x128xi1>
    %and3A = arith.andi %ne3A_25, %ne3A_18 : vector<1x128xi1>
    %add3A = vector.broadcast %select_n3A : i32 to vector<1x128xi32>
    %add3A_26 = arith.addi %rem3A_16, %add3A : vector<1x128xi32>
    %select_n3A_27 = arith.select %and3A, %add3A_26, %rem3A_16 : vector<1x128xi1>, vector<1x128xi32>
    %lt3A_28 = arith.constant 8 : i32
    %lt3A_29 = vector.broadcast %lt3A_28 : i32 to vector<1x128xi32>
    %lt3A_30 = arith.cmpi slt, %select_n3A_27, %lt3A_29 : vector<1x128xi32>
    %convert_element_type3A = arith.sitofp %select_n3A_27 : vector<1x128xi32> to vector<1x128xf32>
    %mul3A_31 = arith.constant 0.857142865 : f32
    %mul3A_32 = vector.broadcast %mul3A_31 : f32 to vector<1x128xf32>
    %mul3A_33 = arith.mulf %convert_element_type3A, %mul3A_32 : vector<1x128xf32>
    %jit3A_34 = arith.constant 1.000000e+05 : f32
    %broadcast_in_dim3A = vector.broadcast %jit3A_34 : f32 to vector<1x128xf32>
    %select_n3A_35 = arith.select %lt3A_30, %mul3A_33, %broadcast_in_dim3A : vector<1x128xi1>, vector<1x128xf32>
    %sub3A_36 = vector.broadcast %select_n3A_35 : vector<1x128xf32> to vector<1000x128xf32>
    %sub3A_37 = arith.subf %max3A_13, %sub3A_36 : vector<1000x128xf32>
    %integer_pow3A = arith.mulf %sub3A_37, %sub3A_37 : vector<1000x128xf32>
    %neg3A = arith.constant 0.000000e+00 : f32
    %neg3A_38 = vector.broadcast %neg3A : f32 to vector<1000x128xf32>
    %neg3A_39 = arith.subf %neg3A_38, %integer_pow3A : vector<1000x128xf32>
    %mul3A_40 = arith.constant 2.000000e+00 : f32
    %mul3A_41 = vector.broadcast %mul3A_40 : f32 to vector<1000x128xf32>
    %mul3A_42 = arith.mulf %neg3A_39, %mul3A_41 : vector<1000x128xf32>
    %exp3A = math.exp %mul3A_42 : vector<1000x128xf32>
    %mul3A_43 = arith.constant 0.797884881 : f32
    %mul3A_44 = vector.broadcast %mul3A_43 : f32 to vector<1000x128xf32>
    %mul3A_45 = arith.mulf %exp3A, %mul3A_44 : vector<1000x128xf32>
    %get3A_46 = arith.constant 0 : index
    %get3A_47 = arith.constant 0 : index
    %get3A_48 = vector.load %arg4[%get3A_46, %get3A_47] : memref<128x256xf32, #tpu.memory_space<vmem>>, vector<128x256xf32>
    %dot_general3A_49 = arith.constant dense<0.000000e+00> : vector<1000x256xf32>
    %dot_general3A_50 = tpu.matmul %mul3A_45, %get3A_48, %dot_general3A_49 {dimension_numbers = #tpu.dot_dimension_numbers<[1], [0], [0], [1], [0, 0, 1, 1], [], []>, transpose_lhs_hint = false} : vector<1000x128xf32>, vector<128x256xf32>, vector<1000x256xf32> -> vector<1000x256xf32>
    %get3A_51 = arith.constant 0 : index
    %get3A_52 = arith.constant 0 : index
    %get3A_53 = vector.load %arg5[%get3A_51, %get3A_52] : memref<1x256xf32, #tpu.memory_space<vmem>>, vector<1x256xf32>
    %add3A_54 = vector.broadcast %get3A_53 : vector<1x256xf32> to vector<1000x256xf32>
    %add3A_55 = arith.addf %dot_general3A_50, %add3A_54 : vector<1000x256xf32>
    %logistic3A = arith.negf %add3A_55 : vector<1000x256xf32>
    %logistic3A_56 = math.exp %logistic3A : vector<1000x256xf32>
    %logistic3A_57 = arith.constant 1.000000e+00 : f32
    %logistic3A_58 = vector.broadcast %logistic3A_57 : f32 to vector<1000x256xf32>
    %logistic3A_59 = arith.addf %logistic3A_58, %logistic3A_56 : vector<1000x256xf32>
    %logistic3A_60 = arith.divf %logistic3A_58, %logistic3A_59 : vector<1000x256xf32>
    %mul3A_61 = arith.mulf %add3A_55, %logistic3A_60 : vector<1000x256xf32>
    %get3A_62 = arith.constant 0 : index
    %get3A_63 = arith.constant 0 : index
    %get3A_64 = vector.load %arg6[%get3A_62, %get3A_63] : memref<256x256xf32, #tpu.memory_space<vmem>>, vector<256x256xf32>
    %dot_general3A_65 = arith.constant dense<0.000000e+00> : vector<1000x256xf32>
    %dot_general3A_66 = tpu.matmul %mul3A_61, %get3A_64, %dot_general3A_65 {dimension_numbers = #tpu.dot_dimension_numbers<[1], [0], [0], [1], [0, 0, 1, 1], [], []>, transpose_lhs_hint = false} : vector<1000x256xf32>, vector<256x256xf32>, vector<1000x256xf32> -> vector<1000x256xf32>
    %get3A_67 = arith.constant 0 : index
    %get3A_68 = arith.constant 0 : index
    %get3A_69 = vector.load %arg7[%get3A_67, %get3A_68] : memref<1x256xf32, #tpu.memory_space<vmem>>, vector<1x256xf32>
    %add3A_70 = vector.broadcast %get3A_69 : vector<1x256xf32> to vector<1000x256xf32>
    %add3A_71 = arith.addf %dot_general3A_66, %add3A_70 : vector<1000x256xf32>
    %logistic3A_72 = arith.negf %add3A_71 : vector<1000x256xf32>
    %logistic3A_73 = math.exp %logistic3A_72 : vector<1000x256xf32>
    %logistic3A_74 = arith.constant 1.000000e+00 : f32
    %logistic3A_75 = vector.broadcast %logistic3A_74 : f32 to vector<1000x256xf32>
    %logistic3A_76 = arith.addf %logistic3A_75, %logistic3A_73 : vector<1000x256xf32>
    %logistic3A_77 = arith.divf %logistic3A_75, %logistic3A_76 : vector<1000x256xf32>
    %mul3A_78 = arith.mulf %add3A_71, %logistic3A_77 : vector<1000x256xf32>
    %get3A_79 = arith.constant 0 : index
    %get3A_80 = arith.constant 0 : index
    %get3A_81 = vector.load %arg8[%get3A_79, %get3A_80] : memref<32x256xf32, #tpu.memory_space<vmem>>, vector<32x256xf32>
    %get3A_82 = arith.constant 0 : index
    %get3A_83 = arith.constant 0 : index
    %get3A_84 = vector.load %arg9[%get3A_82, %get3A_83] : memref<1x256xf32, #tpu.memory_space<vmem>>, vector<1x256xf32>
    %get3A_85 = arith.constant 0 : index
    %get3A_86 = arith.constant 0 : index
    %get3A_87 = vector.load %arg10[%get3A_85, %get3A_86] : memref<16x256xf32, #tpu.memory_space<vmem>>, vector<16x256xf32>
    %get3A_88 = arith.constant 0 : index
    %get3A_89 = arith.constant 0 : index
    %get3A_90 = vector.load %arg11[%get3A_88, %get3A_89] : memref<256x16xf32, #tpu.memory_space<vmem>>, vector<256x16xf32>
    %slice3A = vector.extract_strided_slice %mul3A_78 {offsets = [0, 0], sizes = [1000, 32], strides = [1, 1]} : vector<1000x256xf32> to vector<1000x32xf32>
    %dot_general3A_91 = arith.constant dense<0.000000e+00> : vector<1000x256xf32>
    %dot_general3A_92 = tpu.matmul %slice3A, %get3A_81, %dot_general3A_91 {dimension_numbers = #tpu.dot_dimension_numbers<[1], [0], [0], [1], [0, 0, 1, 1], [], []>, transpose_lhs_hint = false} : vector<1000x32xf32>, vector<32x256xf32>, vector<1000x256xf32> -> vector<1000x256xf32>
    %add3A_93 = vector.broadcast %get3A_84 : vector<1x256xf32> to vector<1000x256xf32>
    %add3A_94 = arith.addf %dot_general3A_92, %add3A_93 : vector<1000x256xf32>
    %slice3A_95 = vector.extract_strided_slice %get3A_7 {offsets = [0, 0], sizes = [1000, 16], strides = [1, 1]} : vector<1000x128xf32> to vector<1000x16xf32>
    %dot_general3A_96 = arith.constant dense<0.000000e+00> : vector<1000x256xf32>
    %dot_general3A_97 = tpu.matmul %slice3A_95, %get3A_87, %dot_general3A_96 {dimension_numbers = #tpu.dot_dimension_numbers<[1], [0], [0], [1], [0, 0, 1, 1], [], []>, transpose_lhs_hint = false} : vector<1000x16xf32>, vector<16x256xf32>, vector<1000x256xf32> -> vector<1000x256xf32>
    %mul3A_98 = arith.mulf %add3A_94, %dot_general3A_97 : vector<1000x256xf32>
    %dot_general3A_99 = arith.constant dense<0.000000e+00> : vector<1000x16xf32>
    %dot_general3A_100 = tpu.matmul %mul3A_98, %get3A_90, %dot_general3A_99 {dimension_numbers = #tpu.dot_dimension_numbers<[1], [0], [0], [1], [0, 0, 1, 1], [], []>, transpose_lhs_hint = false} : vector<1000x256xf32>, vector<256x16xf32>, vector<1000x16xf32> -> vector<1000x16xf32>
    %slice3A_101 = vector.extract_strided_slice %mul3A_78 {offsets = [0, 32], sizes = [1000, 32], strides = [1, 1]} : vector<1000x256xf32> to vector<1000x32xf32>
    %dot_general3A_102 = arith.constant dense<0.000000e+00> : vector<1000x256xf32>
    %dot_general3A_103 = tpu.matmul %slice3A_101, %get3A_81, %dot_general3A_102 {dimension_numbers = #tpu.dot_dimension_numbers<[1], [0], [0], [1], [0, 0, 1, 1], [], []>, transpose_lhs_hint = false} : vector<1000x32xf32>, vector<32x256xf32>, vector<1000x256xf32> -> vector<1000x256xf32>
    %add3A_104 = vector.broadcast %get3A_84 : vector<1x256xf32> to vector<1000x256xf32>
    %add3A_105 = arith.addf %dot_general3A_103, %add3A_104 : vector<1000x256xf32>
    %slice3A_106 = vector.extract_strided_slice %get3A_7 {offsets = [0, 16], sizes = [1000, 16], strides = [1, 1]} : vector<1000x128xf32> to vector<1000x16xf32>
    %dot_general3A_107 = arith.constant dense<0.000000e+00> : vector<1000x256xf32>
    %dot_general3A_108 = tpu.matmul %slice3A_106, %get3A_87, %dot_general3A_107 {dimension_numbers = #tpu.dot_dimension_numbers<[1], [0], [0], [1], [0, 0, 1, 1], [], []>, transpose_lhs_hint = false} : vector<1000x16xf32>, vector<16x256xf32>, vector<1000x256xf32> -> vector<1000x256xf32>
    %mul3A_109 = arith.mulf %add3A_105, %dot_general3A_108 : vector<1000x256xf32>
    %dot_general3A_110 = arith.constant dense<0.000000e+00> : vector<1000x16xf32>
    %dot_general3A_111 = tpu.matmul %mul3A_109, %get3A_90, %dot_general3A_110 {dimension_numbers = #tpu.dot_dimension_numbers<[1], [0], [0], [1], [0, 0, 1, 1], [], []>, transpose_lhs_hint = false} : vector<1000x256xf32>, vector<256x16xf32>, vector<1000x16xf32> -> vector<1000x16xf32>
    %slice3A_112 = vector.extract_strided_slice %mul3A_78 {offsets = [0, 64], sizes = [1000, 32], strides = [1, 1]} : vector<1000x256xf32> to vector<1000x32xf32>
    %dot_general3A_113 = arith.constant dense<0.000000e+00> : vector<1000x256xf32>
    %dot_general3A_114 = tpu.matmul %slice3A_112, %get3A_81, %dot_general3A_113 {dimension_numbers = #tpu.dot_dimension_numbers<[1], [0], [0], [1], [0, 0, 1, 1], [], []>, transpose_lhs_hint = false} : vector<1000x32xf32>, vector<32x256xf32>, vector<1000x256xf32> -> vector<1000x256xf32>
    %add3A_115 = vector.broadcast %get3A_84 : vector<1x256xf32> to vector<1000x256xf32>
    %add3A_116 = arith.addf %dot_general3A_114, %add3A_115 : vector<1000x256xf32>
    %slice3A_117 = vector.extract_strided_slice %get3A_7 {offsets = [0, 32], sizes = [1000, 16], strides = [1, 1]} : vector<1000x128xf32> to vector<1000x16xf32>
    %dot_general3A_118 = arith.constant dense<0.000000e+00> : vector<1000x256xf32>
    %dot_general3A_119 = tpu.matmul %slice3A_117, %get3A_87, %dot_general3A_118 {dimension_numbers = #tpu.dot_dimension_numbers<[1], [0], [0], [1], [0, 0, 1, 1], [], []>, transpose_lhs_hint = false} : vector<1000x16xf32>, vector<16x256xf32>, vector<1000x256xf32> -> vector<1000x256xf32>
    %mul3A_120 = arith.mulf %add3A_116, %dot_general3A_119 : vector<1000x256xf32>
    %dot_general3A_121 = arith.constant dense<0.000000e+00> : vector<1000x16xf32>
    %dot_general3A_122 = tpu.matmul %mul3A_120, %get3A_90, %dot_general3A_121 {dimension_numbers = #tpu.dot_dimension_numbers<[1], [0], [0], [1], [0, 0, 1, 1], [], []>, transpose_lhs_hint = false} : vector<1000x256xf32>, vector<256x16xf32>, vector<1000x16xf32> -> vector<1000x16xf32>
    %slice3A_123 = vector.extract_strided_slice %mul3A_78 {offsets = [0, 96], sizes = [1000, 32], strides = [1, 1]} : vector<1000x256xf32> to vector<1000x32xf32>
    %dot_general3A_124 = arith.constant dense<0.000000e+00> : vector<1000x256xf32>
    %dot_general3A_125 = tpu.matmul %slice3A_123, %get3A_81, %dot_general3A_124 {dimension_numbers = #tpu.dot_dimension_numbers<[1], [0], [0], [1], [0, 0, 1, 1], [], []>, transpose_lhs_hint = false} : vector<1000x32xf32>, vector<32x256xf32>, vector<1000x256xf32> -> vector<1000x256xf32>
    %add3A_126 = vector.broadcast %get3A_84 : vector<1x256xf32> to vector<1000x256xf32>
    %add3A_127 = arith.addf %dot_general3A_125, %add3A_126 : vector<1000x256xf32>
    %slice3A_128 = vector.extract_strided_slice %get3A_7 {offsets = [0, 48], sizes = [1000, 16], strides = [1, 1]} : vector<1000x128xf32> to vector<1000x16xf32>
    %dot_general3A_129 = arith.constant dense<0.000000e+00> : vector<1000x256xf32>
    %dot_general3A_130 = tpu.matmul %slice3A_128, %get3A_87, %dot_general3A_129 {dimension_numbers = #tpu.dot_dimension_numbers<[1], [0], [0], [1], [0, 0, 1, 1], [], []>, transpose_lhs_hint = false} : vector<1000x16xf32>, vector<16x256xf32>, vector<1000x256xf32> -> vector<1000x256xf32>
    %mul3A_131 = arith.mulf %add3A_127, %dot_general3A_130 : vector<1000x256xf32>
    %dot_general3A_132 = arith.constant dense<0.000000e+00> : vector<1000x16xf32>
    %dot_general3A_133 = tpu.matmul %mul3A_131, %get3A_90, %dot_general3A_132 {dimension_numbers = #tpu.dot_dimension_numbers<[1], [0], [0], [1], [0, 0, 1, 1], [], []>, transpose_lhs_hint = false} : vector<1000x256xf32>, vector<256x16xf32>, vector<1000x16xf32> -> vector<1000x16xf32>
    %slice3A_134 = vector.extract_strided_slice %mul3A_78 {offsets = [0, 128], sizes = [1000, 32], strides = [1, 1]} : vector<1000x256xf32> to vector<1000x32xf32>
    %dot_general3A_135 = arith.constant dense<0.000000e+00> : vector<1000x256xf32>
    %dot_general3A_136 = tpu.matmul %slice3A_134, %get3A_81, %dot_general3A_135 {dimension_numbers = #tpu.dot_dimension_numbers<[1], [0], [0], [1], [0, 0, 1, 1], [], []>, transpose_lhs_hint = false} : vector<1000x32xf32>, vector<32x256xf32>, vector<1000x256xf32> -> vector<1000x256xf32>
    %add3A_137 = vector.broadcast %get3A_84 : vector<1x256xf32> to vector<1000x256xf32>
    %add3A_138 = arith.addf %dot_general3A_136, %add3A_137 : vector<1000x256xf32>
    %slice3A_139 = vector.extract_strided_slice %get3A_7 {offsets = [0, 64], sizes = [1000, 16], strides = [1, 1]} : vector<1000x128xf32> to vector<1000x16xf32>
    %dot_general3A_140 = arith.constant dense<0.000000e+00> : vector<1000x256xf32>
    %dot_general3A_141 = tpu.matmul %slice3A_139, %get3A_87, %dot_general3A_140 {dimension_numbers = #tpu.dot_dimension_numbers<[1], [0], [0], [1], [0, 0, 1, 1], [], []>, transpose_lhs_hint = false} : vector<1000x16xf32>, vector<16x256xf32>, vector<1000x256xf32> -> vector<1000x256xf32>
    %mul3A_142 = arith.mulf %add3A_138, %dot_general3A_141 : vector<1000x256xf32>
    %dot_general3A_143 = arith.constant dense<0.000000e+00> : vector<1000x16xf32>
    %dot_general3A_144 = tpu.matmul %mul3A_142, %get3A_90, %dot_general3A_143 {dimension_numbers = #tpu.dot_dimension_numbers<[1], [0], [0], [1], [0, 0, 1, 1], [], []>, transpose_lhs_hint = false} : vector<1000x256xf32>, vector<256x16xf32>, vector<1000x16xf32> -> vector<1000x16xf32>
    %slice3A_145 = vector.extract_strided_slice %mul3A_78 {offsets = [0, 160], sizes = [1000, 32], strides = [1, 1]} : vector<1000x256xf32> to vector<1000x32xf32>
    %dot_general3A_146 = arith.constant dense<0.000000e+00> : vector<1000x256xf32>
    %dot_general3A_147 = tpu.matmul %slice3A_145, %get3A_81, %dot_general3A_146 {dimension_numbers = #tpu.dot_dimension_numbers<[1], [0], [0], [1], [0, 0, 1, 1], [], []>, transpose_lhs_hint = false} : vector<1000x32xf32>, vector<32x256xf32>, vector<1000x256xf32> -> vector<1000x256xf32>
    %add3A_148 = vector.broadcast %get3A_84 : vector<1x256xf32> to vector<1000x256xf32>
    %add3A_149 = arith.addf %dot_general3A_147, %add3A_148 : vector<1000x256xf32>
    %slice3A_150 = vector.extract_strided_slice %get3A_7 {offsets = [0, 80], sizes = [1000, 16], strides = [1, 1]} : vector<1000x128xf32> to vector<1000x16xf32>
    %dot_general3A_151 = arith.constant dense<0.000000e+00> : vector<1000x256xf32>
    %dot_general3A_152 = tpu.matmul %slice3A_150, %get3A_87, %dot_general3A_151 {dimension_numbers = #tpu.dot_dimension_numbers<[1], [0], [0], [1], [0, 0, 1, 1], [], []>, transpose_lhs_hint = false} : vector<1000x16xf32>, vector<16x256xf32>, vector<1000x256xf32> -> vector<1000x256xf32>
    %mul3A_153 = arith.mulf %add3A_149, %dot_general3A_152 : vector<1000x256xf32>
    %dot_general3A_154 = arith.constant dense<0.000000e+00> : vector<1000x16xf32>
    %dot_general3A_155 = tpu.matmul %mul3A_153, %get3A_90, %dot_general3A_154 {dimension_numbers = #tpu.dot_dimension_numbers<[1], [0], [0], [1], [0, 0, 1, 1], [], []>, transpose_lhs_hint = false} : vector<1000x256xf32>, vector<256x16xf32>, vector<1000x16xf32> -> vector<1000x16xf32>
    %slice3A_156 = vector.extract_strided_slice %mul3A_78 {offsets = [0, 192], sizes = [1000, 32], strides = [1, 1]} : vector<1000x256xf32> to vector<1000x32xf32>
    %dot_general3A_157 = arith.constant dense<0.000000e+00> : vector<1000x256xf32>
    %dot_general3A_158 = tpu.matmul %slice3A_156, %get3A_81, %dot_general3A_157 {dimension_numbers = #tpu.dot_dimension_numbers<[1], [0], [0], [1], [0, 0, 1, 1], [], []>, transpose_lhs_hint = false} : vector<1000x32xf32>, vector<32x256xf32>, vector<1000x256xf32> -> vector<1000x256xf32>
    %add3A_159 = vector.broadcast %get3A_84 : vector<1x256xf32> to vector<1000x256xf32>
    %add3A_160 = arith.addf %dot_general3A_158, %add3A_159 : vector<1000x256xf32>
    %slice3A_161 = vector.extract_strided_slice %get3A_7 {offsets = [0, 96], sizes = [1000, 16], strides = [1, 1]} : vector<1000x128xf32> to vector<1000x16xf32>
    %dot_general3A_162 = arith.constant dense<0.000000e+00> : vector<1000x256xf32>
    %dot_general3A_163 = tpu.matmul %slice3A_161, %get3A_87, %dot_general3A_162 {dimension_numbers = #tpu.dot_dimension_numbers<[1], [0], [0], [1], [0, 0, 1, 1], [], []>, transpose_lhs_hint = false} : vector<1000x16xf32>, vector<16x256xf32>, vector<1000x256xf32> -> vector<1000x256xf32>
    %mul3A_164 = arith.mulf %add3A_160, %dot_general3A_163 : vector<1000x256xf32>
    %dot_general3A_165 = arith.constant dense<0.000000e+00> : vector<1000x16xf32>
    %dot_general3A_166 = tpu.matmul %mul3A_164, %get3A_90, %dot_general3A_165 {dimension_numbers = #tpu.dot_dimension_numbers<[1], [0], [0], [1], [0, 0, 1, 1], [], []>, transpose_lhs_hint = false} : vector<1000x256xf32>, vector<256x16xf32>, vector<1000x16xf32> -> vector<1000x16xf32>
    %slice3A_167 = vector.extract_strided_slice %mul3A_78 {offsets = [0, 224], sizes = [1000, 32], strides = [1, 1]} : vector<1000x256xf32> to vector<1000x32xf32>
    %dot_general3A_168 = arith.constant dense<0.000000e+00> : vector<1000x256xf32>
    %dot_general3A_169 = tpu.matmul %slice3A_167, %get3A_81, %dot_general3A_168 {dimension_numbers = #tpu.dot_dimension_numbers<[1], [0], [0], [1], [0, 0, 1, 1], [], []>, transpose_lhs_hint = false} : vector<1000x32xf32>, vector<32x256xf32>, vector<1000x256xf32> -> vector<1000x256xf32>
    %add3A_170 = vector.broadcast %get3A_84 : vector<1x256xf32> to vector<1000x256xf32>
    %add3A_171 = arith.addf %dot_general3A_169, %add3A_170 : vector<1000x256xf32>
    %slice3A_172 = vector.extract_strided_slice %get3A_7 {offsets = [0, 112], sizes = [1000, 16], strides = [1, 1]} : vector<1000x128xf32> to vector<1000x16xf32>
    %dot_general3A_173 = arith.constant dense<0.000000e+00> : vector<1000x256xf32>
    %dot_general3A_174 = tpu.matmul %slice3A_172, %get3A_87, %dot_general3A_173 {dimension_numbers = #tpu.dot_dimension_numbers<[1], [0], [0], [1], [0, 0, 1, 1], [], []>, transpose_lhs_hint = false} : vector<1000x16xf32>, vector<16x256xf32>, vector<1000x256xf32> -> vector<1000x256xf32>
    %mul3A_175 = arith.mulf %add3A_171, %dot_general3A_174 : vector<1000x256xf32>
    %dot_general3A_176 = arith.constant dense<0.000000e+00> : vector<1000x16xf32>
    %dot_general3A_177 = tpu.matmul %mul3A_175, %get3A_90, %dot_general3A_176 {dimension_numbers = #tpu.dot_dimension_numbers<[1], [0], [0], [1], [0, 0, 1, 1], [], []>, transpose_lhs_hint = false} : vector<1000x256xf32>, vector<256x16xf32>, vector<1000x16xf32> -> vector<1000x16xf32>
    %concatenate3A = tpu.concatenate %dot_general3A_100, %dot_general3A_111, %dot_general3A_122, %dot_general3A_133, %dot_general3A_144, %dot_general3A_155, %dot_general3A_166, %dot_general3A_177 in 1 : vector<1000x16xf32>, vector<1000x16xf32>, vector<1000x16xf32>, vector<1000x16xf32>, vector<1000x16xf32>, vector<1000x16xf32>, vector<1000x16xf32>, vector<1000x16xf32> -> vector<1000x128xf32>
    %mul3A_178 = arith.constant 2.500000e-01 : f32
    %mul3A_179 = vector.broadcast %mul3A_178 : f32 to vector<1000x128xf32>
    %mul3A_180 = arith.mulf %concatenate3A, %mul3A_179 : vector<1000x128xf32>
    %swap3A = arith.constant 0 : index
    %swap3A_181 = arith.constant 0 : index
    %swap3A_182 = vector.load %arg13[%swap3A, %swap3A_181] : memref<1000x128xf32, #tpu.memory_space<vmem>>, vector<1000x128xf32>
    tpu.vector_store %arg13[%swap3A, %swap3A_181], %mul3A_180 {strides = array<i32>} : memref<1000x128xf32, #tpu.memory_space<vmem>>, vector<1000x128xf32>,
    return
  }
  func.func @transform_0(%arg0: i32) -> (i32, i32) {
    %c0_i32 = arith.constant 0 : i32
    %c0_i32_0 = arith.constant 0 : i32
    return %arg0, %c0_i32 : i32, i32
  }
  func.func @transform_1(%arg0: i32) -> (i32, i32) {
    %c0_i32 = arith.constant 0 : i32
    %c0_i32_0 = arith.constant 0 : i32
    return %arg0, %c0_i32 : i32, i32
  }
  func.func @transform_2(%arg0: i32) -> (i32, i32) {
    %c0_i32 = arith.constant 0 : i32
    %c0_i32_0 = arith.constant 0 : i32
    return %arg0, %c0_i32 : i32, i32
  }
  func.func @transform_3(%arg0: i32) -> (i32, i32) {
    %c0_i32 = arith.constant 0 : i32
    %c0_i32_0 = arith.constant 0 : i32
    %c0_i32_1 = arith.constant 0 : i32
    return %c0_i32, %c0_i32_0 : i32, i32
  }
  func.func @transform_4(%arg0: i32) -> (i32, i32) {
    %c0_i32 = arith.constant 0 : i32
    %c0_i32_0 = arith.constant 0 : i32
    %c0_i32_1 = arith.constant 0 : i32
    return %c0_i32, %c0_i32_0 : i32, i32
  }
  func.func @transform_5(%arg0: i32) -> (i32, i32) {
    %c0_i32 = arith.constant 0 : i32
    %c0_i32_0 = arith.constant 0 : i32
    %c0_i32_1 = arith.constant 0 : i32
    return %c0_i32, %c0_i32_0 : i32, i32
  }
  func.func @transform_6(%arg0: i32) -> (i32, i32) {
    %c0_i32 = arith.constant 0 : i32
    %c0_i32_0 = arith.constant 0 : i32
    %c0_i32_1 = arith.constant 0 : i32
    return %c0_i32, %c0_i32_0 : i32, i32
  }
  func.func @transform_7(%arg0: i32) -> (i32, i32) {
    %c0_i32 = arith.constant 0 : i32
    %c0_i32_0 = arith.constant 0 : i32
    %c0_i32_1 = arith.constant 0 : i32
    return %c0_i32, %c0_i32_0 : i32, i32
  }
  func.func @transform_8(%arg0: i32) -> (i32, i32) {
    %c0_i32 = arith.constant 0 : i32
    %c0_i32_0 = arith.constant 0 : i32
    %c0_i32_1 = arith.constant 0 : i32
    return %c0_i32, %c0_i32_0 : i32, i32
  }
  func.func @transform_9(%arg0: i32) -> (i32, i32) {
    %c0_i32 = arith.constant 0 : i32
    %c0_i32_0 = arith.constant 0 : i32
    %c0_i32_1 = arith.constant 0 : i32
    return %c0_i32, %c0_i32_0 : i32, i32
  }
  func.func @transform_10(%arg0: i32) -> (i32, i32) {
    %c0_i32 = arith.constant 0 : i32
    %c0_i32_0 = arith.constant 0 : i32
    %c0_i32_1 = arith.constant 0 : i32
    return %c0_i32, %c0_i32_0 : i32, i32
  }
  func.func @transform_11(%arg0: i32) -> (i32, i32) {
    %c0_i32 = arith.constant 0 : i32
    %c0_i32_0 = arith.constant 0 : i32
    %c0_i32_1 = arith.constant 0 : i32
    return %c0_i32, %c0_i32_0 : i32, i32
  }
  func.func @transform_12(%arg0: i32) -> (i32, i32) {
    %c0_i32 = arith.constant 0 : i32
    %c0_i32_0 = arith.constant 0 : i32
    return %arg0, %c0_i32 : i32, i32
  }
}

module attributes {stable_mosaic.version = 14 : i64} {
  func.func @_update_body(%arg0: memref<10000x16xf32, #tpu.memory_space<vmem>>, %arg1: memref<16x16xf32, #tpu.memory_space<vmem>>, %arg2: memref<2x10000x16xf32, #tpu.memory_space<vmem>>, %arg3: memref<10000x16xf32, #tpu.memory_space<vmem>>) attributes {dimension_semantics = [], scalar_prefetch = 0 : i64, scratch_operands = 0 : i64, tpu.core_type = #tpu.core_type<tc>} {
    %get3A = arith.constant 0 : index
    %get3A_0 = arith.constant 0 : index
    %get3A_1 = vector.load %arg0[%get3A, %get3A_0] : memref<10000x16xf32, #tpu.memory_space<vmem>>, vector<10000x16xf32>
    %get3A_2 = arith.constant 0 : index
    %get3A_3 = arith.constant 0 : index
    %get3A_4 = vector.load %arg1[%get3A_2, %get3A_3] : memref<16x16xf32, #tpu.memory_space<vmem>>, vector<16x16xf32>
    %dot_general3A = arith.constant dense<0.000000e+00> : vector<10000x16xf32>
    %dot_general3A_5 = tpu.matmul %get3A_1, %get3A_4, %dot_general3A {dimension_numbers = #tpu.dot_dimension_numbers<[1], [0], [0], [1], [0, 0, 1, 1], [], []>, transpose_lhs_hint = false} : vector<10000x16xf32>, vector<16x16xf32>, vector<10000x16xf32> -> vector<10000x16xf32>
    %get3A_6 = arith.constant 0 : index
    %get3A_7 = arith.constant 0 : index
    %get3A_8 = arith.constant 0 : index
    %get3A_9 = vector.load %arg2[%get3A_6, %get3A_7, %get3A_8] : memref<2x10000x16xf32, #tpu.memory_space<vmem>>, vector<1x10000x16xf32>
    %get3A_10 = vector.shape_cast %get3A_9 : vector<1x10000x16xf32> to vector<10000x16xf32>
    %add3A = arith.addf %dot_general3A_5, %get3A_10 : vector<10000x16xf32>
    %get3A_11 = arith.constant 1 : index
    %get3A_12 = arith.constant 0 : index
    %get3A_13 = arith.constant 0 : index
    %get3A_14 = vector.load %arg2[%get3A_11, %get3A_12, %get3A_13] : memref<2x10000x16xf32, #tpu.memory_space<vmem>>, vector<1x10000x16xf32>
    %get3A_15 = vector.shape_cast %get3A_14 : vector<1x10000x16xf32> to vector<10000x16xf32>
    %add3A_16 = arith.addf %add3A, %get3A_15 : vector<10000x16xf32>
    %swap3A = arith.constant 0 : index
    %swap3A_17 = arith.constant 0 : index
    %swap3A_18 = vector.load %arg3[%swap3A, %swap3A_17] : memref<10000x16xf32, #tpu.memory_space<vmem>>, vector<10000x16xf32>
    tpu.vector_store %arg3[%swap3A, %swap3A_17], %add3A_16 {strides = array<i32>} : memref<10000x16xf32, #tpu.memory_space<vmem>>, vector<10000x16xf32>,
    return
  }
}

module attributes {stable_mosaic.version = 14 : i64} {
  func.func @_tail_body(%arg0: memref<10000x16xf32, #tpu.memory_space<vmem>>, %arg1: memref<10000x1xi32, #tpu.memory_space<vmem>>, %arg2: memref<16x128xf32, #tpu.memory_space<vmem>>, %arg3: memref<1x128xf32, #tpu.memory_space<vmem>>, %arg4: memref<128x128xf32, #tpu.memory_space<vmem>>, %arg5: memref<1x128xf32, #tpu.memory_space<vmem>>, %arg6: memref<128x1xf32, #tpu.memory_space<vmem>>, %arg7: memref<1x1xf32, #tpu.memory_space<vmem>>, %arg8: memref<16x512xf32, #tpu.memory_space<vmem>>, %arg9: memref<1x512xf32, #tpu.memory_space<vmem>>, %arg10: memref<1x512xf32, #tpu.memory_space<vmem>>, %arg11: memref<1x512xf32, #tpu.memory_space<vmem>>, %arg12: memref<16x512xf32, #tpu.memory_space<vmem>>) attributes {dimension_semantics = [], scalar_prefetch = 0 : i64, scratch_operands = 0 : i64, tpu.core_type = #tpu.core_type<tc>} {
    %get3A = arith.constant 0 : index
    %get3A_0 = arith.constant 0 : index
    %get3A_1 = vector.load %arg0[%get3A, %get3A_0] : memref<10000x16xf32, #tpu.memory_space<vmem>>, vector<10000x16xf32>
    %get3A_2 = arith.constant 0 : index
    %get3A_3 = arith.constant 0 : index
    %get3A_4 = vector.load %arg2[%get3A_2, %get3A_3] : memref<16x128xf32, #tpu.memory_space<vmem>>, vector<16x128xf32>
    %dot_general3A = arith.constant dense<0.000000e+00> : vector<10000x128xf32>
    %dot_general3A_5 = tpu.matmul %get3A_1, %get3A_4, %dot_general3A {dimension_numbers = #tpu.dot_dimension_numbers<[1], [0], [0], [1], [0, 0, 1, 1], [], []>, transpose_lhs_hint = false} : vector<10000x16xf32>, vector<16x128xf32>, vector<10000x128xf32> -> vector<10000x128xf32>
    %get3A_6 = arith.constant 0 : index
    %get3A_7 = arith.constant 0 : index
    %get3A_8 = vector.load %arg3[%get3A_6, %get3A_7] : memref<1x128xf32, #tpu.memory_space<vmem>>, vector<1x128xf32>
    %add3A = vector.broadcast %get3A_8 : vector<1x128xf32> to vector<10000x128xf32>
    %add3A_9 = arith.addf %dot_general3A_5, %add3A : vector<10000x128xf32>
    %logistic3A = arith.negf %add3A_9 : vector<10000x128xf32>
    %logistic3A_10 = math.exp %logistic3A : vector<10000x128xf32>
    %logistic3A_11 = arith.constant 1.000000e+00 : f32
    %logistic3A_12 = vector.broadcast %logistic3A_11 : f32 to vector<10000x128xf32>
    %logistic3A_13 = arith.addf %logistic3A_12, %logistic3A_10 : vector<10000x128xf32>
    %logistic3A_14 = arith.divf %logistic3A_12, %logistic3A_13 : vector<10000x128xf32>
    %mul3A = arith.mulf %add3A_9, %logistic3A_14 : vector<10000x128xf32>
    %get3A_15 = arith.constant 0 : index
    %get3A_16 = arith.constant 0 : index
    %get3A_17 = vector.load %arg4[%get3A_15, %get3A_16] : memref<128x128xf32, #tpu.memory_space<vmem>>, vector<128x128xf32>
    %dot_general3A_18 = arith.constant dense<0.000000e+00> : vector<10000x128xf32>
    %dot_general3A_19 = tpu.matmul %mul3A, %get3A_17, %dot_general3A_18 {dimension_numbers = #tpu.dot_dimension_numbers<[1], [0], [0], [1], [0, 0, 1, 1], [], []>, transpose_lhs_hint = false} : vector<10000x128xf32>, vector<128x128xf32>, vector<10000x128xf32> -> vector<10000x128xf32>
    %get3A_20 = arith.constant 0 : index
    %get3A_21 = arith.constant 0 : index
    %get3A_22 = vector.load %arg5[%get3A_20, %get3A_21] : memref<1x128xf32, #tpu.memory_space<vmem>>, vector<1x128xf32>
    %add3A_23 = vector.broadcast %get3A_22 : vector<1x128xf32> to vector<10000x128xf32>
    %add3A_24 = arith.addf %dot_general3A_19, %add3A_23 : vector<10000x128xf32>
    %logistic3A_25 = arith.negf %add3A_24 : vector<10000x128xf32>
    %logistic3A_26 = math.exp %logistic3A_25 : vector<10000x128xf32>
    %logistic3A_27 = arith.constant 1.000000e+00 : f32
    %logistic3A_28 = vector.broadcast %logistic3A_27 : f32 to vector<10000x128xf32>
    %logistic3A_29 = arith.addf %logistic3A_28, %logistic3A_26 : vector<10000x128xf32>
    %logistic3A_30 = arith.divf %logistic3A_28, %logistic3A_29 : vector<10000x128xf32>
    %mul3A_31 = arith.mulf %add3A_24, %logistic3A_30 : vector<10000x128xf32>
    %get3A_32 = arith.constant 0 : index
    %get3A_33 = arith.constant 0 : index
    %get3A_34 = vector.load %arg6[%get3A_32, %get3A_33] : memref<128x1xf32, #tpu.memory_space<vmem>>, vector<128x1xf32>
    %dot_general3A_35 = arith.constant dense<0.000000e+00> : vector<10000x1xf32>
    %dot_general3A_36 = tpu.matmul %mul3A_31, %get3A_34, %dot_general3A_35 {dimension_numbers = #tpu.dot_dimension_numbers<[1], [0], [0], [1], [0, 0, 1, 1], [], []>, transpose_lhs_hint = false} : vector<10000x128xf32>, vector<128x1xf32>, vector<10000x1xf32> -> vector<10000x1xf32>
    %get3A_37 = arith.constant 0 : index
    %get3A_38 = arith.constant 0 : index
    %get3A_39 = vector.load %arg7[%get3A_37, %get3A_38] : memref<1x1xf32, #tpu.memory_space<vmem>>, vector<1x1xf32>
    %add3A_40 = vector.broadcast %get3A_39 : vector<1x1xf32> to vector<10000x1xf32>
    %add3A_41 = arith.addf %dot_general3A_36, %add3A_40 : vector<10000x1xf32>
    %get3A_42 = arith.constant 0 : index
    %get3A_43 = arith.constant 0 : index
    %get3A_44 = vector.load %arg1[%get3A_42, %get3A_43] : memref<10000x1xi32, #tpu.memory_space<vmem>>, vector<10000x1xi32>
    %iota3A = tpu.iota {dimensions = array<i32: 1>} : vector<10000x16xi32>
    %eq3A = vector.broadcast %get3A_44 : vector<10000x1xi32> to vector<10000x16xi32>
    %eq3A_45 = arith.cmpi eq, %eq3A, %iota3A : vector<10000x16xi32>
    %convert_element_type3A = arith.extui %eq3A_45 : vector<10000x16xi1> to vector<10000x16xi32>
    %convert_element_type3A_46 = arith.sitofp %convert_element_type3A : vector<10000x16xi32> to vector<10000x16xf32>
    %jit3A = arith.constant -3.000000e+38 : f32
    %broadcast_in_dim3A = vector.shape_cast %add3A_41 : vector<10000x1xf32> to vector<10000x1xf32>
    %broadcast_in_dim3A_47 = vector.broadcast %broadcast_in_dim3A : vector<10000x1xf32> to vector<10000x16xf32>
    %broadcast_in_dim3A_48 = vector.broadcast %jit3A : f32 to vector<10000x16xf32>
    %select_n3A = arith.select %eq3A_45, %broadcast_in_dim3A_47, %broadcast_in_dim3A_48 : vector<10000x16xi1>, vector<10000x16xf32>
    %reduce_max3A = arith.constant dense<0xFF800000> : vector<16xf32>
    %reduce_max3A_49 = vector.multi_reduction <maximumf>, %select_n3A, %reduce_max3A [0] : vector<10000x16xf32> to vector<16xf32>
    %broadcast_in_dim3A_50 = vector.shape_cast %reduce_max3A_49 : vector<16xf32> to vector<1x16xf32>
    %mul3A_51 = vector.broadcast %broadcast_in_dim3A_50 : vector<1x16xf32> to vector<10000x16xf32>
    %mul3A_52 = arith.mulf %convert_element_type3A_46, %mul3A_51 : vector<10000x16xf32>
    %reduce_sum3A = arith.constant dense<0.000000e+00> : vector<10000xf32>
    %reduce_sum3A_53 = vector.multi_reduction <add>, %mul3A_52, %reduce_sum3A [1] : vector<10000x16xf32> to vector<10000xf32>
    %broadcast_in_dim3A_54 = vector.shape_cast %reduce_sum3A_53 : vector<10000xf32> to vector<10000x1xf32>
    %sub3A = arith.subf %add3A_41, %broadcast_in_dim3A_54 : vector<10000x1xf32>
    %exp3A = math.exp %sub3A : vector<10000x1xf32>
    %mul3A_55 = vector.broadcast %exp3A : vector<10000x1xf32> to vector<10000x16xf32>
    %mul3A_56 = arith.mulf %convert_element_type3A_46, %mul3A_55 : vector<10000x16xf32>
    %reduce_sum3A_57 = arith.constant dense<0.000000e+00> : vector<16xf32>
    %reduce_sum3A_58 = vector.multi_reduction <add>, %mul3A_56, %reduce_sum3A_57 [0] : vector<10000x16xf32> to vector<16xf32>
    %broadcast_in_dim3A_59 = vector.shape_cast %reduce_sum3A_58 : vector<16xf32> to vector<1x16xf32>
    %mul3A_60 = vector.broadcast %exp3A : vector<10000x1xf32> to vector<10000x16xf32>
    %mul3A_61 = arith.mulf %convert_element_type3A_46, %mul3A_60 : vector<10000x16xf32>
    %dot_general3A_62 = arith.constant dense<0.000000e+00> : vector<16x16xf32>
    %dot_general3A_63 = tpu.matmul %mul3A_61, %get3A_1, %dot_general3A_62 {dimension_numbers = #tpu.dot_dimension_numbers<[0], [0], [1], [1], [0, 1, 1, 1], [], []>, transpose_lhs_hint = false} : vector<10000x16xf32>, vector<10000x16xf32>, vector<16x16xf32> -> vector<16x16xf32>
    %reshape3A = vector.shape_cast %broadcast_in_dim3A_59 : vector<1x16xf32> to vector<16x1xf32>
    %div3A = vector.broadcast %reshape3A : vector<16x1xf32> to vector<16x16xf32>
    %div3A_64 = arith.divf %dot_general3A_63, %div3A : vector<16x16xf32>
    %get3A_65 = arith.constant 0 : index
    %get3A_66 = arith.constant 0 : index
    %get3A_67 = vector.load %arg8[%get3A_65, %get3A_66] : memref<16x512xf32, #tpu.memory_space<vmem>>, vector<16x512xf32>
    %dot_general3A_68 = arith.constant dense<0.000000e+00> : vector<16x512xf32>
    %dot_general3A_69 = tpu.matmul %div3A_64, %get3A_67, %dot_general3A_68 {dimension_numbers = #tpu.dot_dimension_numbers<[1], [0], [0], [1], [0, 0, 1, 1], [], []>, transpose_lhs_hint = false} : vector<16x16xf32>, vector<16x512xf32>, vector<16x512xf32> -> vector<16x512xf32>
    %get3A_70 = arith.constant 0 : index
    %get3A_71 = arith.constant 0 : index
    %get3A_72 = vector.load %arg9[%get3A_70, %get3A_71] : memref<1x512xf32, #tpu.memory_space<vmem>>, vector<1x512xf32>
    %add3A_73 = vector.broadcast %get3A_72 : vector<1x512xf32> to vector<16x512xf32>
    %add3A_74 = arith.addf %dot_general3A_69, %add3A_73 : vector<16x512xf32>
    %reduce_sum3A_75 = arith.constant dense<0.000000e+00> : vector<16xf32>
    %reduce_sum3A_76 = vector.multi_reduction <add>, %add3A_74, %reduce_sum3A_75 [1] : vector<16x512xf32> to vector<16xf32>
    %broadcast_in_dim3A_77 = vector.shape_cast %reduce_sum3A_76 : vector<16xf32> to vector<16x1xf32>
    %div3A_78 = arith.constant 5.120000e+02 : f32
    %div3A_79 = vector.broadcast %div3A_78 : f32 to vector<16x1xf32>
    %div3A_80 = arith.divf %broadcast_in_dim3A_77, %div3A_79 : vector<16x1xf32>
    %mul3A_81 = arith.mulf %add3A_74, %add3A_74 : vector<16x512xf32>
    %reduce_sum3A_82 = arith.constant dense<0.000000e+00> : vector<16xf32>
    %reduce_sum3A_83 = vector.multi_reduction <add>, %mul3A_81, %reduce_sum3A_82 [1] : vector<16x512xf32> to vector<16xf32>
    %broadcast_in_dim3A_84 = vector.shape_cast %reduce_sum3A_83 : vector<16xf32> to vector<16x1xf32>
    %div3A_85 = arith.constant 5.120000e+02 : f32
    %div3A_86 = vector.broadcast %div3A_85 : f32 to vector<16x1xf32>
    %div3A_87 = arith.divf %broadcast_in_dim3A_84, %div3A_86 : vector<16x1xf32>
    %mul3A_88 = arith.mulf %div3A_80, %div3A_80 : vector<16x1xf32>
    %sub3A_89 = arith.subf %div3A_87, %mul3A_88 : vector<16x1xf32>
    %sub3A_90 = vector.broadcast %div3A_80 : vector<16x1xf32> to vector<16x512xf32>
    %sub3A_91 = arith.subf %add3A_74, %sub3A_90 : vector<16x512xf32>
    %add3A_92 = arith.constant 9.99999974E-6 : f32
    %add3A_93 = vector.broadcast %add3A_92 : f32 to vector<16x1xf32>
    %add3A_94 = arith.addf %sub3A_89, %add3A_93 : vector<16x1xf32>
    %rsqrt3A = math.rsqrt %add3A_94 : vector<16x1xf32>
    %mul3A_95 = vector.broadcast %rsqrt3A : vector<16x1xf32> to vector<16x512xf32>
    %mul3A_96 = arith.mulf %sub3A_91, %mul3A_95 : vector<16x512xf32>
    %get3A_97 = arith.constant 0 : index
    %get3A_98 = arith.constant 0 : index
    %get3A_99 = vector.load %arg10[%get3A_97, %get3A_98] : memref<1x512xf32, #tpu.memory_space<vmem>>, vector<1x512xf32>
    %mul3A_100 = vector.broadcast %get3A_99 : vector<1x512xf32> to vector<16x512xf32>
    %mul3A_101 = arith.mulf %mul3A_96, %mul3A_100 : vector<16x512xf32>
    %get3A_102 = arith.constant 0 : index
    %get3A_103 = arith.constant 0 : index
    %get3A_104 = vector.load %arg11[%get3A_102, %get3A_103] : memref<1x512xf32, #tpu.memory_space<vmem>>, vector<1x512xf32>
    %add3A_105 = vector.broadcast %get3A_104 : vector<1x512xf32> to vector<16x512xf32>
    %add3A_106 = arith.addf %mul3A_101, %add3A_105 : vector<16x512xf32>
    %swap3A = arith.constant 0 : index
    %swap3A_107 = arith.constant 0 : index
    %swap3A_108 = vector.load %arg12[%swap3A, %swap3A_107] : memref<16x512xf32, #tpu.memory_space<vmem>>, vector<16x512xf32>
    tpu.vector_store %arg12[%swap3A, %swap3A_107], %add3A_106 {strides = array<i32>} : memref<16x512xf32, #tpu.memory_space<vmem>>, vector<16x512xf32>,
    return
  }
}

</mosaic_0001>

<sc_bundles>
// kernel: kernel.14.cloned.1.call-start
scs
__scs_entry_jumppad:
0x0: {  	(pc) =	sbr.rel $0x88, $3  }
0x1: {  	(tag) =	ssettag $0x0;
	lr =	simm.s32 $0x1  }
0x2: {  	[smem:$0x3F84] =	sst lr;
	_ =	strace $0xD0000000  }
0x3: {  	_ = 	snop  }
0x4: {  	_ = 	snop  }
0x5: {  	_ = 	snop  }
0x6: {  	_ = 	snop  }
0x7: {  	_ = 	snop  }
__scs_overlays_trampoline_lowered:
0x8: {  	[smem:$0x3F93] =	sst s0  }
0x9: {  	[smem:$0x3F94] =	sst s1  }
0xa: {  	[smem:$0x3F95] =	sst s2  }
0xb: {  	[smem:$0x3F96] =	sst s3  }
0xc: {  	[smem:$0x3F97] =	sst s4  }
0xd: {  	[smem:$0x3F98] =	sst s5  }
0xe: {  	[smem:$0x3F99] =	sst s6  }
0xf: {  	[smem:$0x3F9A] =	sst s7  }
0x10: {  	[smem:$0x3F9B] =	sst s8  }
0x11: {  	[smem:$0x3F9C] =	sst s9;
	s0 =	simm.s32 @!p0 $0x0  }
0x12: {  	s1 =	sld [smem:$0x3F82];
	s0 =	simm.s32 @p0 $0x1  }
0x13: {  	[smem:$0x3F9D] =	sst s0;
	s0 =	simm.s32 @!p1 $0x0  }
0x14: {  	s2 =	sld [smem:$0x3F81];
	s0 =	simm.s32 @p1 $0x1  }
0x15: {  	[smem:$0x3F9E] =	sst s0;
	s0 =	simm.s32 @!p2 $0x0  }
0x16: {  	s3 =	sld [smem:$0x3FDB];
	s0 =	simm.s32 @p2 $0x1  }
0x17: {  	s4 =	simm.s32 $0x1BF5;
	[smem:$0x3FA0] =	sst s0  }
0x18: {  	s0 =	sld [smem:$0x3F83];
	_ =	swait.ge [sflag:s4], $0x0  }
0x19: {  	s7 =	sld [smem:$0x3F84]  }
0x1a: {  	s8 =	sadd.s32 $0xFFFFE003, lr  }
0x1b: {  	s9 =	sadd.s32 $0xFFFFFEF7, lr;
	s5 =	simm.s32 $0xFFFFFFFF;
	p2 =	slt.u32 s8, $0xFFFFF086  }
0x1c: {  	p1 =	slt.u32 s9, $0xF7A;
	s5 =	simm.s32 @!p2 $0x0  }
0x1d: {  	s5 =	simm.s32 @p1 $0x1;
	p0 =	seq.s32 s7, s2  }
0x1e: {  	s7 =	smul.u32 @!p0 $0xF7A, s2;
	p2 =	seq.s32 @!p0 s5, $0x0  }
0x1f: {  	s9 =	smul.u32 $0xF7A, s1;
	s8 =	simm.s32 @!p0 $0x1BF5;
	p2 =	por !p2, p0  }
0x20: {  	[sflag:s8] =	ssyncset.s32 @!p0 $0xFFFFF086;
	s6 =	sadd.s32 @!p0 s3, s7;
	s7 =	simm.s32 @!p0 $0x108  }
0x21: {  	s3 =	sadd.s32 s3, s9;
	s6 =	sadd.s32 @!p0 $0x88, s6;
	s7 =	simm.s32 @p2 $0x1082  }
0x22: {  	[simem:s7], [sflag:s8] =	dma.local @!p0 [hbm:s6], $0xF7A  }
0x23: {  	s9 =	sor.u32 $0xD0000000, s2;
	s6 =	simm.s32 $0x108;
	_ =	swait.ge @!p0 [sflag:s8], $0x0  }
0x24: {  	s3 =	sadd.s32 $0x88, s3;
	s6 =	simm.s32 @!p1 $0x1082;
	[sflag:s4] =	ssyncset.s32 $0xFFFFF086  }
0x25: {  	[simem:s6], [sflag:s4] =	dma.local [hbm:s3], $0xF7A  }
0x26: {  	[smem:$0x3F84] =	sst s1;
	(tag) =	ssettag s2;
	_ =	strace s9  }
0x27: {  	s1 =	sld [smem:$0x3F94]  }
0x28: {  	s2 =	sld [smem:$0x3F95]  }
0x29: {  	s4 =	sld [smem:$0x3F97]  }
0x2a: {  	p0 =	seq.s32 s5, $0x0;
	s5 =	sld [smem:$0x3F98]  }
0x2b: {  	s6 =	sld [smem:$0x3F99]  }
0x2c: {  	s7 =	sld [smem:$0x3F9A]  }
0x2d: {  	s3 =	simm.s32 $0x108;
	s8 =	sld [smem:$0x3F9B]  }
0x2e: {  	s3 =	simm.s32 @!p0 $0x1082;
	s9 =	sld [smem:$0x3F9C]  }
0x2f: {  	lr =	sadd.s32 s0, s3;
	s0 =	sld [smem:$0x3F93]  }
0x30: {  	s3 =	sld [smem:$0x3F96]  }
0x31: {  	[smem:$0x3F9F] =	sst s10  }
0x32: {  	s10 =	sld [smem:$0x3F9D];
	_ =	sdelay $0x3  }
0x33: {  	p0 =	seq.s32 s10, $0x1;
	s10 =	sld [smem:$0x3F9F];
	_ =	sdelay $0x3  }
0x34: {  	[smem:$0x3F9F] =	sst s10  }
0x35: {  	s10 =	sld [smem:$0x3F9E];
	_ =	sdelay $0x3  }
0x36: {  	p1 =	seq.s32 s10, $0x1;
	s10 =	sld [smem:$0x3F9F];
	_ =	sdelay $0x3  }
0x37: {  	[smem:$0x3F9F] =	sst s10  }
0x38: {  	s10 =	sld [smem:$0x3FA0]  }
0x39: {  	_ = 	snop;
	(pc) =	sbr.ind lr, $3  }
0x3a: {  	_ = 	snop  }
0x3b: {  	_ = 	snop  }
0x3c: {  	p2 =	seq.s32 s10, $0x1;
	s10 =	sld [smem:$0x3F9F]  }
0x3d: {  	_ =	shalt  }
0x3e: {  	_ =	shalt  }
0x3f: {  	_ =	shalt  }
0x40: {  	_ =	shalt  }
0x41: {  	_ =	shalt  }
0x42: {  	_ =	shalt  }
0x43: {  	_ =	shalt  }
0x44: {  	_ =	shalt  }
0x45: {  	_ =	shalt  }
0x46: {  	_ =	shalt  }
0x47: {  	_ =	shalt  }
0x48: {  	_ =	shalt  }
0x49: {  	_ =	shalt  }
0x4a: {  	_ =	shalt  }
0x4b: {  	_ =	shalt  }
0x4c: {  	_ =	shalt  }
0x4d: {  	_ =	shalt  }
0x4e: {  	_ =	shalt  }
0x4f: {  	_ =	shalt  }
0x50: {  	_ =	shalt  }
0x51: {  	_ =	shalt  }
0x52: {  	_ =	shalt  }
0x53: {  	_ =	shalt  }
0x54: {  	_ =	shalt  }
0x55: {  	_ =	shalt  }
0x56: {  	_ =	shalt  }
0x57: {  	_ =	shalt  }
0x58: {  	_ =	shalt  }
0x59: {  	_ =	shalt  }
0x5a: {  	_ =	shalt  }
0x5b: {  	_ =	shalt  }
0x5c: {  	_ =	shalt  }
0x5d: {  	_ =	shalt  }
0x5e: {  	_ =	shalt  }
0x5f: {  	_ =	shalt  }
0x60: {  	_ =	shalt  }
0x61: {  	_ =	shalt  }
0x62: {  	_ =	shalt  }
0x63: {  	_ =	shalt  }
0x64: {  	_ =	shalt  }
0x65: {  	_ =	shalt  }
0x66: {  	_ =	shalt  }
0x67: {  	_ =	shalt  }
0x68: {  	_ =	shalt  }
0x69: {  	_ =	shalt  }
0x6a: {  	_ =	shalt  }
0x6b: {  	_ =	shalt  }
0x6c: {  	_ =	shalt  }
0x6d: {  	_ =	shalt  }
0x6e: {  	_ =	shalt  }
0x6f: {  	_ =	shalt  }
0x70: {  	_ =	shalt  }
0x71: {  	_ =	shalt  }
0x72: {  	_ =	shalt  }
0x73: {  	_ =	shalt  }
0x74: {  	_ =	shalt  }
0x75: {  	_ =	shalt  }
0x76: {  	_ =	shalt  }
0x77: {  	_ =	shalt  }
0x78: {  	_ =	shalt  }
0x79: {  	_ =	shalt  }
0x7a: {  	_ =	shalt  }
0x7b: {  	_ =	shalt  }
0x7c: {  	_ =	shalt  }
0x7d: {  	_ =	shalt  }
0x7e: {  	_ =	shalt  }
0x7f: {  	_ =	shalt  }
0x80: {  	_ =	shalt  }
0x81: {  	_ =	shalt  }
0x82: {  	_ =	shalt  }
0x83: {  	_ =	shalt  }
0x84: {  	_ =	shalt  }
0x85: {  	_ =	shalt  }
0x86: {  	_ =	shalt  }
0x87: {  	_ =	shalt  }
.Lfunc_end0:
.L_simem_size_0:
called_computation_lowered:
.L_overlay_start_0:
0x88: {  	s2 =	sld [smem:$0x3FD9]  }
0x89: {  	s3 =	sld [smem:$0x3FFE];
	_ =	sdelay $0x1  }
0x8a: {  	s1 =	srdreg.scid  }
0x8b: {  	s0 =	sand.u32 $0x1, s1  }
0x8c: {  	s16 =	sshll.u32 s0, $0xA;
	s2 =	sadd.s32 s3, s2  }
0x8d: {  	s2 =	sadd.s32 s2, s16  }
0x8e: {  	[smem:$0x3FAB] =	sst s2  }
0x8f: {  	_ = 	snop  }
0x90: {  	(tm) =	ssettm $0x1  }
0x91: {  	s17 =	sld [smem:$0x3FFB];
	_ =	sdelay $0x3  }
0x92: {  	_ =	strace s17  }
0x93: {  	s2 =	sld [smem:$0x3FFC];
	_ =	sdelay $0x3  }
0x94: {  	_ =	strace s2  }
0x95: {  	s2 =	sld [smem:$0x3FFD];
	_ =	sdelay $0x3  }
0x96: {  	_ =	strace s2  }
0x97: {  	_ =	strace $0x8FFFFFFF  }
0x98: {  	s18 =	sld [smem:$0x3FDB];
	_ =	sdelay $0x1  }
0x99: {  	s19 =	simm.s32 $_scs_section_size  }
0x9a: {  	s4 =	simm.s32 $_size__tile_overlayer_lowered;
	s5 =	simm.s32 $_tile_overlayer_lowered  }
0x9b: {  	s22 =	simm.s32 $0x1BFF;
	s21 =	sshll.u32 s5, $0x1;
	s2 =	sadd.s32 s19, s18  }
0x9c: {  	s6 =	simm.s32 $0x0;
	s20 =	sshll.u32 s4, $0x1;
	s4 =	sadd.s32 s21, s2  }
0x9d: {  	[timem:s6], [sflag:s22] =	dma.local [hbm:s4], s20  }
0x9e: {  	_ =	swait.ge [sflag:s22], s20  }
0x9f: {  	s3 =	ssub.s32 $0x0, s20;
	[sflag:s22] =	ssyncset.done $0x0  }
0xa0: {  	[sflag:s22] =	ssyncadd.s32 s3;
	_ =	sdelay $0x1  }
0xa1: {  	s23 =	simm.s32 $0x1B8B  }
0xa2: {  	_ =	swait.ge [sflag:s23], $0x1  }
0xa3: {  	[sflag:s23] =	ssyncset.done $0x0  }
0xa4: {  	s25 =	simm.s32 $0x1B8E;
	s24 =	sld [smem:$0x3FFE];
	[sflag:s23] =	ssyncadd.s32 $0xFFFFFFFF  }
0xa5: {  	s26 =	simm.s32 $execute0_lowered;
	[smem:$0x3FD2] =	sst s25  }
0xa6: {  	s4 =	sshll.u32 s26, $0x1;
	_ =	strace $0x80000046;
	[dreg:$0x1] =	wrdreg $0xFFFFFFFF  }
0xa7: {  	s28 =	simm.s32 $_size_execute0_lowered;
	s2 =	sadd.s32 s2, s4;
	[dreg:$0x0] =	wrdreg $0x0  }
0xa8: {  	s4 =	sshll.u32 s28, $0x1;
	[dreg:$0x2] =	wrdreg s2  }
0xa9: {  	[dreg:$0x3] =	wrdreg s4  }
0xaa: {  	[dreg:$0x4] =	wrdreg $0xC0  }
0xab: {  	_ =	task [dreg:s6], $0x5FFFF  }
0xac: {  	[dreg:$0x1] =	wrdreg $0xFFFFFFFF  }
0xad: {  	[dreg:$0x0] =	wrdreg $0x60  }
0xae: {  	[dreg:$0x2] =	wrdreg s24  }
0xaf: {  	[dreg:$0x3] =	wrdreg $0x9  }
0xb0: {  	_ =	task.clear_ibuf [dreg:s6], $0x4FFFF;
	_ =	strace $0x90000046  }
0xb1: {  	s29 =	simm.s32 $0x9;
	_ =	strace $0x80000048  }
0xb2: {  	_ =	swait.ge [sflag:s29], $0x1  }
0xb3: {  	[sflag:s29] =	ssyncadd.s32 $0xFFFFFFFF  }
0xb4: {  	_ =	strace $0x90000048  }
0xb5: {  	_ =	sfence  }
0xb6: {  	s30 =	sld [smem:$0x0];
	_ =	sdelay $0x2  }
0xb7: {  	s31 =	sshll.u32 s1, $0xD;
	s1 =	sshrl.u32 s1, $0x2  }
0xb8: {  	s3 =	sand.u32 $0x4000, s31;
	s1 =	sadd.s32 s1, s30  }
0xb9: {  	s0 =	sor.u32 s3, s0;
	s1 =	sshll.u32 s1, $0x11  }
0xba: {  	s0 =	sor.u32 s1, s0  }
0xbb: {  	s0 =	sadd.s32 $0x8F2B, s0  }
0xbc: {  	[sflag:s0] =	ssyncadd.remote.s32 $0x1  }
0xbd: {  	_ =	sfence.sel $0xFFFF  }
0xbe: {  	[dreg:$0x0] =	wrdreg $0xFFFFFFFF;
	(pc) =	sbr.abs _section_cstart, $3  }
0xbf: {  	[dreg:$0x1] =	wrdreg $0xFFFFFFFF  }
0xc0: {  	_ =	task.clear_ibuf [dreg:s6], $0x2FFFF;
	_ =	strace $0x9FFFFFFF  }
0xc1: {  	(tm) =	ssettm $0x7FFFFFFF  }
tec
execute0_lowered:
.L_overlay_start_1:
0x0: {  	(tag) =	ssettag $0x1  }
0x1: {  	s1 =	srdreg.scid;
	s0 =	stileid.u32  }
0x2: {  	s6 =	sand.u32 $0x1, s1;
	s30 =	sshll.u32 s0, $0x1  }
0x3: {  	s8 =	rddreg [dreg:$0x0];
	s7 =	sor.u32 s6, s30  }
0x4: {  	s2 =	simm.s32 $0x0;
	s1 =	rddreg [dreg:$0x1];
	s3 =	smul.u32 $0x271, s7  }
0x5: {  	[smem:$0x7FF] =	sst s2;
	s5 =	sadd.s32 $0xFC00, s8  }
0x6: {  	_ =	strace $0x80000047;
	s10 =	ssub.s32 $0x2, s6;
	s3 =	sadd.s32 s3, s8  }
0x7: {  	s6 =	simm.s32 $0x1388;
	s4 =	sadd.s32 $0x5C00, s3;
	s3 =	simm.s32 $0x2  }
0x8: {  	[tilespmem:s2], [sflag:$0x2] =	stream.linear.gather [hbm4b:s4+s2], $0x1388, $0x38;
	[tilespmem:$0x14C08] =	vst v63  }
0x9: {  	s9 =	smul.u32 $0x2710, s7;
	s11 =	sshrl.u32 s10, $0x1;
	_ =	swait.ge [sflag:s3], $0x1388  }
0xa: {  	s7 =	simm.s32 $0x1;
	s31 =	ssub.s32 s10, s11;
	[sflag:s3] =	ssyncset.done $0x0  }
0xb: {  	s8 =	sadd.s32 s9, s8;
	s9 =	smax.u32 s31, $0x1;
	[sflag:s3] =	ssyncadd.s32 $0xFFFFEC78  }
0xc: {  	[tilespmem:s6], [sflag:$0x1] =	stream.indirect.gather [hbm4b:s5+s6], $0x10, s2, s6, $0xb8;
	[tilespmem:$0x14C08] =	vst v63  }
0xd: {  	p0 =	sne.s32 s9, $0x1;
	_ =	swait.ge [sflag:s7], $0x13880  }
.Ltmp0:
0xe: {  	[sflag:s7] =	ssyncset.done $0x0;
	(pc) =	sbr.rel @!p0 .LBB2_2-.Ltmp0, $4  }
0xf: {  	s8 =	sadd.s32 $0x14C00, s8;
	[sflag:s7] =	ssyncadd.s32 $0xFFFEC780  }
0x10: {  	[hbm4b:s8+s2] =	stream.linear.scatter [tilespmem:s6], [sflag:$0x2], $0x13880, $0x38;
	[tilespmem:$0x14C08] =	vst v63  }
0x11: {  	_ =	swait.ge [sflag:s3], $0x13880  }
0x12: {  	s9 =	sadd.s32 $0xFFFFFFFF, s9;
	[sflag:s3] =	ssyncset.done $0x0  }
.LBB2_1:
0x13: {  	p0 =	sne.s32 s9, $0x1;
	s9 =	sadd.s32 $0xFFFFFFFF, s9;
	[sflag:s3] =	ssyncadd.s32 $0xFFFEC780  }
0x14: {  	[tilespmem:s2], [sflag:$0x2] =	stream.linear.gather [hbm4b:s4+s2], $0x1388, $0x38;
	[tilespmem:$0x14C08] =	vst v63  }
0x15: {  	_ =	swait.ge [sflag:s3], $0x1388  }
0x16: {  	[sflag:s3] =	ssyncset.done $0x0  }
0x17: {  	[sflag:s3] =	ssyncadd.s32 $0xFFFFEC78  }
0x18: {  	[tilespmem:s6], [sflag:$0x1] =	stream.indirect.gather [hbm4b:s5+s6], $0x10, s2, s6, $0xb8;
	[tilespmem:$0x14C08] =	vst v63  }
0x19: {  	_ =	swait.ge [sflag:s7], $0x13880  }
.Ltmp1:
0x1a: {  	[sflag:s7] =	ssyncset.done $0x0;
	(pc) =	sbr.rel @p0 .LBB2_1-.Ltmp1, $4  }
0x1b: {  	[sflag:s7] =	ssyncadd.s32 $0xFFFEC780  }
0x1c: {  	[hbm4b:s8+s2] =	stream.linear.scatter [tilespmem:s6], [sflag:$0x2], $0x13880, $0x38;
	[tilespmem:$0x14C08] =	vst v63  }
0x1d: {  	_ =	swait.ge [sflag:s3], $0x13880  }
0x1e: {  	[sflag:s3] =	ssyncset.done $0x0  }
.LBB2_2:
0x1f: {  	[sflag:s3] =	ssyncadd.s32 $0xFFFEC780  }
0x20: {  	_ =	sfence.sel $0x180000  }
0x21: {  	[bflag:$0x0] =	sbarrier.arrive $0xFFFF  }
0x22: {  	p0 =	sne.s32 s0, $0x0;
	_ =	strace $0x90000047  }
0x23: {  	s0 =	sadd.s32 @!p0 $0x100000, s1;
	[bflag:$0x2] =	sbarrier.arrive $0xFFFF  }
0x24: {  	[sflag:s0] =	ssyncadd.tile.s32 @!p0 $0x1;
	_ =	shalt  }
.Lfunc_end2:
_tile_overlayer_lowered:
.L_overlay_start_2:
0x25: {  	(tag) =	ssettag $0x2  }
0x26: {  	s0 =	rddreg [dreg:$0x0];
	s2 =	stileid.u32  }
0x27: {  	s1 =	rddreg [dreg:$0x1];
	p0 =	sne.s32 s2, $0x0  }
0x28: {  	s3 =	rddreg [dreg:$0x2];
	[bflag:$0x3] =	sbarrier.arrive $0xFFFF;
	s2 =	simm.s32 @!p0 $0x1C02  }
0x29: {  	[timem:s3], [sflag:s2] =	dma.local @!p0 [hbm:s0], s1  }
0x2a: {  	s0 =	simm.s32 @!p0 $0x2  }
0x2b: {  	_ =	swait.ge @!p0 [sflag:s0], s1  }
0x2c: {  	s1 =	ssub.s32 @!p0 $0x0, s1;
	[sflag:s0] =	ssyncset.done @!p0 $0x0  }
0x2d: {  	[sflag:s0] =	ssyncadd.s32 @!p0 s1  }
0x2e: {  	[bflag:$0x3] =	sbarrier.arrive $0xFFFF  }
0x2f: {  	_ =	shalt  }

// kernel: kernel.17.cloned.1.call-start
scs
__scs_entry_jumppad:
0x0: {  	(pc) =	sbr.rel $0x88, $3  }
0x1: {  	(tag) =	ssettag $0x0;
	lr =	simm.s32 $0x1  }
0x2: {  	[smem:$0x3F84] =	sst lr;
	_ =	strace $0xD0000000  }
0x3: {  	_ = 	snop  }
0x4: {  	_ = 	snop  }
0x5: {  	_ = 	snop  }
0x6: {  	_ = 	snop  }
0x7: {  	_ = 	snop  }
__scs_overlays_trampoline_lowered:
0x8: {  	[smem:$0x3F93] =	sst s0  }
0x9: {  	[smem:$0x3F94] =	sst s1  }
0xa: {  	[smem:$0x3F95] =	sst s2  }
0xb: {  	[smem:$0x3F96] =	sst s3  }
0xc: {  	[smem:$0x3F97] =	sst s4  }
0xd: {  	[smem:$0x3F98] =	sst s5  }
0xe: {  	[smem:$0x3F99] =	sst s6  }
0xf: {  	[smem:$0x3F9A] =	sst s7  }
0x10: {  	[smem:$0x3F9B] =	sst s8  }
0x11: {  	[smem:$0x3F9C] =	sst s9;
	s0 =	simm.s32 @!p0 $0x0  }
0x12: {  	s1 =	sld [smem:$0x3F82];
	s0 =	simm.s32 @p0 $0x1  }
0x13: {  	[smem:$0x3F9D] =	sst s0;
	s0 =	simm.s32 @!p1 $0x0  }
0x14: {  	s2 =	sld [smem:$0x3F81];
	s0 =	simm.s32 @p1 $0x1  }
0x15: {  	[smem:$0x3F9E] =	sst s0;
	s0 =	simm.s32 @!p2 $0x0  }
0x16: {  	s3 =	sld [smem:$0x3FDB];
	s0 =	simm.s32 @p2 $0x1  }
0x17: {  	s4 =	simm.s32 $0x1BF5;
	[smem:$0x3FA0] =	sst s0  }
0x18: {  	s0 =	sld [smem:$0x3F83];
	_ =	swait.ge [sflag:s4], $0x0  }
0x19: {  	s7 =	sld [smem:$0x3F84]  }
0x1a: {  	s8 =	sadd.s32 $0xFFFFE003, lr  }
0x1b: {  	s9 =	sadd.s32 $0xFFFFFEF7, lr;
	s5 =	simm.s32 $0xFFFFFFFF;
	p2 =	slt.u32 s8, $0xFFFFF086  }
0x1c: {  	p1 =	slt.u32 s9, $0xF7A;
	s5 =	simm.s32 @!p2 $0x0  }
0x1d: {  	s5 =	simm.s32 @p1 $0x1;
	p0 =	seq.s32 s7, s2  }
0x1e: {  	s7 =	smul.u32 @!p0 $0xF7A, s2;
	p2 =	seq.s32 @!p0 s5, $0x0  }
0x1f: {  	s9 =	smul.u32 $0xF7A, s1;
	s8 =	simm.s32 @!p0 $0x1BF5;
	p2 =	por !p2, p0  }
0x20: {  	[sflag:s8] =	ssyncset.s32 @!p0 $0xFFFFF086;
	s6 =	sadd.s32 @!p0 s3, s7;
	s7 =	simm.s32 @!p0 $0x108  }
0x21: {  	s3 =	sadd.s32 s3, s9;
	s6 =	sadd.s32 @!p0 $0x88, s6;
	s7 =	simm.s32 @p2 $0x1082  }
0x22: {  	[simem:s7], [sflag:s8] =	dma.local @!p0 [hbm:s6], $0xF7A  }
0x23: {  	s9 =	sor.u32 $0xD0000000, s2;
	s6 =	simm.s32 $0x108;
	_ =	swait.ge @!p0 [sflag:s8], $0x0  }
0x24: {  	s3 =	sadd.s32 $0x88, s3;
	s6 =	simm.s32 @!p1 $0x1082;
	[sflag:s4] =	ssyncset.s32 $0xFFFFF086  }
0x25: {  	[simem:s6], [sflag:s4] =	dma.local [hbm:s3], $0xF7A  }
0x26: {  	[smem:$0x3F84] =	sst s1;
	(tag) =	ssettag s2;
	_ =	strace s9  }
0x27: {  	s1 =	sld [smem:$0x3F94]  }
0x28: {  	s2 =	sld [smem:$0x3F95]  }
0x29: {  	s4 =	sld [smem:$0x3F97]  }
0x2a: {  	p0 =	seq.s32 s5, $0x0;
	s5 =	sld [smem:$0x3F98]  }
0x2b: {  	s6 =	sld [smem:$0x3F99]  }
0x2c: {  	s7 =	sld [smem:$0x3F9A]  }
0x2d: {  	s3 =	simm.s32 $0x108;
	s8 =	sld [smem:$0x3F9B]  }
0x2e: {  	s3 =	simm.s32 @!p0 $0x1082;
	s9 =	sld [smem:$0x3F9C]  }
0x2f: {  	lr =	sadd.s32 s0, s3;
	s0 =	sld [smem:$0x3F93]  }
0x30: {  	s3 =	sld [smem:$0x3F96]  }
0x31: {  	[smem:$0x3F9F] =	sst s10  }
0x32: {  	s10 =	sld [smem:$0x3F9D];
	_ =	sdelay $0x3  }
0x33: {  	p0 =	seq.s32 s10, $0x1;
	s10 =	sld [smem:$0x3F9F];
	_ =	sdelay $0x3  }
0x34: {  	[smem:$0x3F9F] =	sst s10  }
0x35: {  	s10 =	sld [smem:$0x3F9E];
	_ =	sdelay $0x3  }
0x36: {  	p1 =	seq.s32 s10, $0x1;
	s10 =	sld [smem:$0x3F9F];
	_ =	sdelay $0x3  }
0x37: {  	[smem:$0x3F9F] =	sst s10  }
0x38: {  	s10 =	sld [smem:$0x3FA0]  }
0x39: {  	_ = 	snop;
	(pc) =	sbr.ind lr, $3  }
0x3a: {  	_ = 	snop  }
0x3b: {  	_ = 	snop  }
0x3c: {  	p2 =	seq.s32 s10, $0x1;
	s10 =	sld [smem:$0x3F9F]  }
0x3d: {  	_ =	shalt  }
0x3e: {  	_ =	shalt  }
0x3f: {  	_ =	shalt  }
0x40: {  	_ =	shalt  }
0x41: {  	_ =	shalt  }
0x42: {  	_ =	shalt  }
0x43: {  	_ =	shalt  }
0x44: {  	_ =	shalt  }
0x45: {  	_ =	shalt  }
0x46: {  	_ =	shalt  }
0x47: {  	_ =	shalt  }
0x48: {  	_ =	shalt  }
0x49: {  	_ =	shalt  }
0x4a: {  	_ =	shalt  }
0x4b: {  	_ =	shalt  }
0x4c: {  	_ =	shalt  }
0x4d: {  	_ =	shalt  }
0x4e: {  	_ =	shalt  }
0x4f: {  	_ =	shalt  }
0x50: {  	_ =	shalt  }
0x51: {  	_ =	shalt  }
0x52: {  	_ =	shalt  }
0x53: {  	_ =	shalt  }
0x54: {  	_ =	shalt  }
0x55: {  	_ =	shalt  }
0x56: {  	_ =	shalt  }
0x57: {  	_ =	shalt  }
0x58: {  	_ =	shalt  }
0x59: {  	_ =	shalt  }
0x5a: {  	_ =	shalt  }
0x5b: {  	_ =	shalt  }
0x5c: {  	_ =	shalt  }
0x5d: {  	_ =	shalt  }
0x5e: {  	_ =	shalt  }
0x5f: {  	_ =	shalt  }
0x60: {  	_ =	shalt  }
0x61: {  	_ =	shalt  }
0x62: {  	_ =	shalt  }
0x63: {  	_ =	shalt  }
0x64: {  	_ =	shalt  }
0x65: {  	_ =	shalt  }
0x66: {  	_ =	shalt  }
0x67: {  	_ =	shalt  }
0x68: {  	_ =	shalt  }
0x69: {  	_ =	shalt  }
0x6a: {  	_ =	shalt  }
0x6b: {  	_ =	shalt  }
0x6c: {  	_ =	shalt  }
0x6d: {  	_ =	shalt  }
0x6e: {  	_ =	shalt  }
0x6f: {  	_ =	shalt  }
0x70: {  	_ =	shalt  }
0x71: {  	_ =	shalt  }
0x72: {  	_ =	shalt  }
0x73: {  	_ =	shalt  }
0x74: {  	_ =	shalt  }
0x75: {  	_ =	shalt  }
0x76: {  	_ =	shalt  }
0x77: {  	_ =	shalt  }
0x78: {  	_ =	shalt  }
0x79: {  	_ =	shalt  }
0x7a: {  	_ =	shalt  }
0x7b: {  	_ =	shalt  }
0x7c: {  	_ =	shalt  }
0x7d: {  	_ =	shalt  }
0x7e: {  	_ =	shalt  }
0x7f: {  	_ =	shalt  }
0x80: {  	_ =	shalt  }
0x81: {  	_ =	shalt  }
0x82: {  	_ =	shalt  }
0x83: {  	_ =	shalt  }
0x84: {  	_ =	shalt  }
0x85: {  	_ =	shalt  }
0x86: {  	_ =	shalt  }
0x87: {  	_ =	shalt  }
.Lfunc_end0:
.L_simem_size_0:
called_computation.1_lowered:
.L_overlay_start_0:
0x88: {  	s2 =	sld [smem:$0x3FD9]  }
0x89: {  	s3 =	sld [smem:$0x3FFE];
	_ =	sdelay $0x1  }
0x8a: {  	s1 =	srdreg.scid  }
0x8b: {  	s0 =	sand.u32 $0x1, s1  }
0x8c: {  	s17 =	sshll.u32 s0, $0xA;
	s2 =	sadd.s32 s3, s2  }
0x8d: {  	s2 =	sadd.s32 s2, s17  }
0x8e: {  	[smem:$0x3FAB] =	sst s2  }
0x8f: {  	_ = 	snop  }
0x90: {  	(tm) =	ssettm $0x1  }
0x91: {  	s18 =	sld [smem:$0x3FFB];
	_ =	sdelay $0x3  }
0x92: {  	_ =	strace s18  }
0x93: {  	s2 =	sld [smem:$0x3FFC];
	_ =	sdelay $0x3  }
0x94: {  	_ =	strace s2  }
0x95: {  	s2 =	sld [smem:$0x3FFD];
	_ =	sdelay $0x3  }
0x96: {  	_ =	strace s2  }
0x97: {  	_ =	strace $0x8FFFFFFF  }
0x98: {  	s19 =	sld [smem:$0x3FDB];
	_ =	sdelay $0x1  }
0x99: {  	s20 =	simm.s32 $_scs_section_size  }
0x9a: {  	s4 =	simm.s32 $_size__tile_overlayer_lowered;
	s5 =	simm.s32 $_tile_overlayer_lowered  }
0x9b: {  	s6 =	simm.s32 $0x1BFF;
	s21 =	sshll.u32 s5, $0x1;
	s3 =	sadd.s32 s20, s19  }
0x9c: {  	s22 =	simm.s32 $0x0;
	s4 =	sshll.u32 s4, $0x1;
	s5 =	sadd.s32 s21, s3  }
0x9d: {  	[timem:s22], [sflag:s6] =	dma.local [hbm:s5], s4  }
0x9e: {  	_ =	swait.ge [sflag:s6], s4  }
0x9f: {  	s4 =	ssub.s32 $0x0, s4;
	[sflag:s6] =	ssyncset.done $0x0  }
0xa0: {  	[sflag:s6] =	ssyncadd.s32 s4;
	_ =	sdelay $0x1  }
0xa1: {  	s23 =	simm.s32 $0x1B8B  }
0xa2: {  	_ =	swait.ge [sflag:s23], $0x1  }
0xa3: {  	[sflag:s23] =	ssyncset.done $0x0  }
0xa4: {  	[sflag:s23] =	ssyncadd.s32 $0xFFFFFFFF  }
0xa5: {  	s4 =	sld [smem:$0x0]  }
0xa6: {  	s5 =	sand.u32 $0xFFFFFFFE, s1  }
0xa7: {  	p0 =	sne.s32 s1, s5  }
0xa8: {  	s5 =	sshll.u32 @p0 s5, $0xE  }
0xa9: {  	s5 =	sadd.s32 @p0 $0x11B8D, s5;
	s6 =	sshll.u32 @p0 s4, $0x11  }
0xaa: {  	s5 =	sor.u32 @p0 s6, s5  }
0xab: {  	[sflag:s5] =	ssyncadd.remote.s32 @p0 $0x1;
	_ =	sdelay $0x1  }
0xac: {  	s5 =	simm.s32 @p0 $0x1B8D  }
0xad: {  	_ =	swait.eq @p0 [sflag:s5], $0x1  }
0xae: {  	[sflag:s5] =	ssyncadd.s32 @p0 $0xFFFFFFFF  }
0xaf: {  	s6 =	sshll.u32 @!p0 s1, $0xE  }
0xb0: {  	s6 =	sor.u32 @!p0 $0x4000, s6;
	s5 =	simm.s32 @!p0 $0x1B8D  }
0xb1: {  	s4 =	sshll.u32 @!p0 s4, $0x11;
	s6 =	sadd.s32 @!p0 $0x11B8D, s6;
	_ =	swait.eq @!p0 [sflag:s5], $0x1  }
0xb2: {  	s4 =	sor.u32 @!p0 s4, s6;
	[sflag:s5] =	ssyncadd.s32 @!p0 $0xFFFFFFFF  }
0xb3: {  	s25 =	simm.s32 $0x1B8E;
	s24 =	sld [smem:$0x3FFE];
	[sflag:s4] =	ssyncadd.remote.s32 @!p0 $0x1  }
0xb4: {  	s26 =	simm.s32 $execute0_lowered;
	[smem:$0x3FD2] =	sst s25  }
0xb5: {  	s5 =	sshll.u32 s26, $0x1;
	_ =	strace $0x80000049;
	[dreg:$0x1] =	wrdreg $0xFFFFFFFF  }
0xb6: {  	s28 =	simm.s32 $_size_execute0_lowered;
	s3 =	sadd.s32 s3, s5;
	[dreg:$0x0] =	wrdreg $0x0  }
0xb7: {  	s5 =	sshll.u32 s28, $0x1;
	[dreg:$0x2] =	wrdreg s3  }
0xb8: {  	[dreg:$0x3] =	wrdreg s5  }
0xb9: {  	[dreg:$0x4] =	wrdreg $0xC0  }
0xba: {  	_ =	task [dreg:s22], $0x5FFFF  }
0xbb: {  	[dreg:$0x1] =	wrdreg $0xFFFFFFFF  }
0xbc: {  	[dreg:$0x0] =	wrdreg $0x60  }
0xbd: {  	[dreg:$0x2] =	wrdreg s24  }
0xbe: {  	[dreg:$0x3] =	wrdreg $0xA  }
0xbf: {  	_ =	task.clear_ibuf [dreg:s22], $0x4FFFF;
	_ =	strace $0x90000049  }
0xc0: {  	s29 =	simm.s32 $0xA;
	_ =	strace $0x8000004B  }
0xc1: {  	_ =	swait.ge [sflag:s29], $0x1  }
0xc2: {  	[sflag:s29] =	ssyncadd.s32 $0xFFFFFFFF  }
0xc3: {  	_ =	strace $0x9000004B  }
0xc4: {  	_ =	sfence  }
0xc5: {  	s30 =	sld [smem:$0x0];
	_ =	sdelay $0x2  }
0xc6: {  	s31 =	sshll.u32 s1, $0xD;
	s1 =	sshrl.u32 s1, $0x2  }
0xc7: {  	s4 =	sand.u32 $0x4000, s31;
	s1 =	sadd.s32 s1, s30  }
0xc8: {  	s0 =	sor.u32 s4, s0;
	s1 =	sshll.u32 s1, $0x11  }
0xc9: {  	s0 =	sor.u32 s1, s0  }
0xca: {  	s0 =	sadd.s32 $0x8F2B, s0  }
0xcb: {  	[sflag:s0] =	ssyncadd.remote.s32 $0x1  }
0xcc: {  	_ =	sfence.sel $0xFFFF  }
0xcd: {  	[dreg:$0x0] =	wrdreg $0xFFFFFFFF;
	(pc) =	sbr.abs _section_cstart, $3  }
0xce: {  	[dreg:$0x1] =	wrdreg $0xFFFFFFFF  }
0xcf: {  	_ =	task.clear_ibuf [dreg:s22], $0x2FFFF;
	_ =	strace $0x9FFFFFFF  }
0xd0: {  	(tm) =	ssettm $0x7FFFFFFF  }
0xd1: {  	_ =	shalt  }
tec
execute0_lowered:
.L_overlay_start_1:
0x0: {  	(tag) =	ssettag $0x1  }
0x1: {  	s1 =	srdreg.scid;
	s0 =	stileid.u32  }
0x2: {  	s6 =	sand.u32 $0x1, s1;
	s30 =	sshll.u32 s0, $0x1  }
0x3: {  	s8 =	rddreg [dreg:$0x0];
	s7 =	sor.u32 s6, s30  }
0x4: {  	s2 =	simm.s32 $0x0;
	s1 =	rddreg [dreg:$0x1];
	s3 =	smul.u32 $0x271, s7  }
0x5: {  	[smem:$0x7FF] =	sst s2;
	s5 =	sadd.s32 $0xFC00, s8  }
0x6: {  	_ =	strace $0x8000004A;
	s10 =	ssub.s32 $0x2, s6;
	s3 =	sadd.s32 s3, s8  }
0x7: {  	s6 =	simm.s32 $0x1388;
	s4 =	sadd.s32 $0xAC00, s3;
	s3 =	simm.s32 $0x2  }
0x8: {  	[tilespmem:s2], [sflag:$0x2] =	stream.linear.gather [hbm4b:s4+s2], $0x1388, $0x38;
	[tilespmem:$0x14C08] =	vst v63  }
0x9: {  	s9 =	smul.u32 $0x2710, s7;
	s11 =	sshrl.u32 s10, $0x1;
	_ =	swait.ge [sflag:s3], $0x1388  }
0xa: {  	s7 =	simm.s32 $0x1;
	s31 =	ssub.s32 s10, s11;
	[sflag:s3] =	ssyncset.done $0x0  }
0xb: {  	s8 =	sadd.s32 s9, s8;
	s9 =	smax.u32 s31, $0x1;
	[sflag:s3] =	ssyncadd.s32 $0xFFFFEC78  }
0xc: {  	[tilespmem:s6], [sflag:$0x1] =	stream.indirect.gather [hbm4b:s5+s6], $0x10, s2, s6, $0xb8;
	[tilespmem:$0x14C08] =	vst v63  }
0xd: {  	p0 =	sne.s32 s9, $0x1;
	_ =	swait.ge [sflag:s7], $0x13880  }
.Ltmp0:
0xe: {  	[sflag:s7] =	ssyncset.done $0x0;
	(pc) =	sbr.rel @!p0 .LBB2_2-.Ltmp0, $4  }
0xf: {  	s8 =	sadd.s32 $0x62E00, s8;
	[sflag:s7] =	ssyncadd.s32 $0xFFFEC780  }
0x10: {  	[hbm4b:s8+s2] =	stream.linear.scatter [tilespmem:s6], [sflag:$0x2], $0x13880, $0x38;
	[tilespmem:$0x14C08] =	vst v63  }
0x11: {  	_ =	swait.ge [sflag:s3], $0x13880  }
0x12: {  	s9 =	sadd.s32 $0xFFFFFFFF, s9;
	[sflag:s3] =	ssyncset.done $0x0  }
.LBB2_1:
0x13: {  	p0 =	sne.s32 s9, $0x1;
	s9 =	sadd.s32 $0xFFFFFFFF, s9;
	[sflag:s3] =	ssyncadd.s32 $0xFFFEC780  }
0x14: {  	[tilespmem:s2], [sflag:$0x2] =	stream.linear.gather [hbm4b:s4+s2], $0x1388, $0x38;
	[tilespmem:$0x14C08] =	vst v63  }
0x15: {  	_ =	swait.ge [sflag:s3], $0x1388  }
0x16: {  	[sflag:s3] =	ssyncset.done $0x0  }
0x17: {  	[sflag:s3] =	ssyncadd.s32 $0xFFFFEC78  }
0x18: {  	[tilespmem:s6], [sflag:$0x1] =	stream.indirect.gather [hbm4b:s5+s6], $0x10, s2, s6, $0xb8;
	[tilespmem:$0x14C08] =	vst v63  }
0x19: {  	_ =	swait.ge [sflag:s7], $0x13880  }
.Ltmp1:
0x1a: {  	[sflag:s7] =	ssyncset.done $0x0;
	(pc) =	sbr.rel @p0 .LBB2_1-.Ltmp1, $4  }
0x1b: {  	[sflag:s7] =	ssyncadd.s32 $0xFFFEC780  }
0x1c: {  	[hbm4b:s8+s2] =	stream.linear.scatter [tilespmem:s6], [sflag:$0x2], $0x13880, $0x38;
	[tilespmem:$0x14C08] =	vst v63  }
0x1d: {  	_ =	swait.ge [sflag:s3], $0x13880  }
0x1e: {  	[sflag:s3] =	ssyncset.done $0x0  }
.LBB2_2:
0x1f: {  	[sflag:s3] =	ssyncadd.s32 $0xFFFEC780  }
0x20: {  	_ =	sfence.sel $0x180000  }
0x21: {  	[bflag:$0x0] =	sbarrier.arrive $0xFFFF  }
0x22: {  	p0 =	sne.s32 s0, $0x0;
	_ =	strace $0x9000004A  }
0x23: {  	s0 =	sadd.s32 @!p0 $0x100000, s1;
	[bflag:$0x2] =	sbarrier.arrive $0xFFFF  }
0x24: {  	[sflag:s0] =	ssyncadd.tile.s32 @!p0 $0x1;
	_ =	shalt  }
.Lfunc_end2:
_tile_overlayer_lowered:
.L_overlay_start_2:
0x25: {  	(tag) =	ssettag $0x2  }
0x26: {  	s0 =	rddreg [dreg:$0x0];
	s2 =	stileid.u32  }
0x27: {  	s1 =	rddreg [dreg:$0x1];
	p0 =	sne.s32 s2, $0x0  }
0x28: {  	s3 =	rddreg [dreg:$0x2];
	[bflag:$0x3] =	sbarrier.arrive $0xFFFF;
	s2 =	simm.s32 @!p0 $0x1C02  }
0x29: {  	[timem:s3], [sflag:s2] =	dma.local @!p0 [hbm:s0], s1  }
0x2a: {  	s0 =	simm.s32 @!p0 $0x2  }
0x2b: {  	_ =	swait.ge @!p0 [sflag:s0], s1  }
0x2c: {  	s1 =	ssub.s32 @!p0 $0x0, s1;
	[sflag:s0] =	ssyncset.done @!p0 $0x0  }
0x2d: {  	[sflag:s0] =	ssyncadd.s32 @!p0 s1  }
0x2e: {  	[bflag:$0x3] =	sbarrier.arrive $0xFFFF  }
0x2f: {  	_ =	shalt  }

// kernel: kernel.20.cloned.1.call-start
scs
__scs_entry_jumppad:
0x0: {  	(pc) =	sbr.rel $0x88, $3  }
0x1: {  	(tag) =	ssettag $0x0;
	lr =	simm.s32 $0x1  }
0x2: {  	[smem:$0x3F84] =	sst lr;
	_ =	strace $0xD0000000  }
0x3: {  	_ = 	snop  }
0x4: {  	_ = 	snop  }
0x5: {  	_ = 	snop  }
0x6: {  	_ = 	snop  }
0x7: {  	_ = 	snop  }
__scs_overlays_trampoline_lowered:
0x8: {  	[smem:$0x3F93] =	sst s0  }
0x9: {  	[smem:$0x3F94] =	sst s1  }
0xa: {  	[smem:$0x3F95] =	sst s2  }
0xb: {  	[smem:$0x3F96] =	sst s3  }
0xc: {  	[smem:$0x3F97] =	sst s4  }
0xd: {  	[smem:$0x3F98] =	sst s5  }
0xe: {  	[smem:$0x3F99] =	sst s6  }
0xf: {  	[smem:$0x3F9A] =	sst s7  }
0x10: {  	[smem:$0x3F9B] =	sst s8  }
0x11: {  	[smem:$0x3F9C] =	sst s9;
	s0 =	simm.s32 @!p0 $0x0  }
0x12: {  	s1 =	sld [smem:$0x3F82];
	s0 =	simm.s32 @p0 $0x1  }
0x13: {  	[smem:$0x3F9D] =	sst s0;
	s0 =	simm.s32 @!p1 $0x0  }
0x14: {  	s2 =	sld [smem:$0x3F81];
	s0 =	simm.s32 @p1 $0x1  }
0x15: {  	[smem:$0x3F9E] =	sst s0;
	s0 =	simm.s32 @!p2 $0x0  }
0x16: {  	s3 =	sld [smem:$0x3FDB];
	s0 =	simm.s32 @p2 $0x1  }
0x17: {  	s4 =	simm.s32 $0x1BF5;
	[smem:$0x3FA0] =	sst s0  }
0x18: {  	s0 =	sld [smem:$0x3F83];
	_ =	swait.ge [sflag:s4], $0x0  }
0x19: {  	s7 =	sld [smem:$0x3F84]  }
0x1a: {  	s8 =	sadd.s32 $0xFFFFE003, lr  }
0x1b: {  	s9 =	sadd.s32 $0xFFFFFEF7, lr;
	s5 =	simm.s32 $0xFFFFFFFF;
	p2 =	slt.u32 s8, $0xFFFFF086  }
0x1c: {  	p1 =	slt.u32 s9, $0xF7A;
	s5 =	simm.s32 @!p2 $0x0  }
0x1d: {  	s5 =	simm.s32 @p1 $0x1;
	p0 =	seq.s32 s7, s2  }
0x1e: {  	s7 =	smul.u32 @!p0 $0xF7A, s2;
	p2 =	seq.s32 @!p0 s5, $0x0  }
0x1f: {  	s9 =	smul.u32 $0xF7A, s1;
	s8 =	simm.s32 @!p0 $0x1BF5;
	p2 =	por !p2, p0  }
0x20: {  	[sflag:s8] =	ssyncset.s32 @!p0 $0xFFFFF086;
	s6 =	sadd.s32 @!p0 s3, s7;
	s7 =	simm.s32 @!p0 $0x108  }
0x21: {  	s3 =	sadd.s32 s3, s9;
	s6 =	sadd.s32 @!p0 $0x88, s6;
	s7 =	simm.s32 @p2 $0x1082  }
0x22: {  	[simem:s7], [sflag:s8] =	dma.local @!p0 [hbm:s6], $0xF7A  }
0x23: {  	s9 =	sor.u32 $0xD0000000, s2;
	s6 =	simm.s32 $0x108;
	_ =	swait.ge @!p0 [sflag:s8], $0x0  }
0x24: {  	s3 =	sadd.s32 $0x88, s3;
	s6 =	simm.s32 @!p1 $0x1082;
	[sflag:s4] =	ssyncset.s32 $0xFFFFF086  }
0x25: {  	[simem:s6], [sflag:s4] =	dma.local [hbm:s3], $0xF7A  }
0x26: {  	[smem:$0x3F84] =	sst s1;
	(tag) =	ssettag s2;
	_ =	strace s9  }
0x27: {  	s1 =	sld [smem:$0x3F94]  }
0x28: {  	s2 =	sld [smem:$0x3F95]  }
0x29: {  	s4 =	sld [smem:$0x3F97]  }
0x2a: {  	p0 =	seq.s32 s5, $0x0;
	s5 =	sld [smem:$0x3F98]  }
0x2b: {  	s6 =	sld [smem:$0x3F99]  }
0x2c: {  	s7 =	sld [smem:$0x3F9A]  }
0x2d: {  	s3 =	simm.s32 $0x108;
	s8 =	sld [smem:$0x3F9B]  }
0x2e: {  	s3 =	simm.s32 @!p0 $0x1082;
	s9 =	sld [smem:$0x3F9C]  }
0x2f: {  	lr =	sadd.s32 s0, s3;
	s0 =	sld [smem:$0x3F93]  }
0x30: {  	s3 =	sld [smem:$0x3F96]  }
0x31: {  	[smem:$0x3F9F] =	sst s10  }
0x32: {  	s10 =	sld [smem:$0x3F9D];
	_ =	sdelay $0x3  }
0x33: {  	p0 =	seq.s32 s10, $0x1;
	s10 =	sld [smem:$0x3F9F];
	_ =	sdelay $0x3  }
0x34: {  	[smem:$0x3F9F] =	sst s10  }
0x35: {  	s10 =	sld [smem:$0x3F9E];
	_ =	sdelay $0x3  }
0x36: {  	p1 =	seq.s32 s10, $0x1;
	s10 =	sld [smem:$0x3F9F];
	_ =	sdelay $0x3  }
0x37: {  	[smem:$0x3F9F] =	sst s10  }
0x38: {  	s10 =	sld [smem:$0x3FA0]  }
0x39: {  	_ = 	snop;
	(pc) =	sbr.ind lr, $3  }
0x3a: {  	_ = 	snop  }
0x3b: {  	_ = 	snop  }
0x3c: {  	p2 =	seq.s32 s10, $0x1;
	s10 =	sld [smem:$0x3F9F]  }
0x3d: {  	_ =	shalt  }
0x3e: {  	_ =	shalt  }
0x3f: {  	_ =	shalt  }
0x40: {  	_ =	shalt  }
0x41: {  	_ =	shalt  }
0x42: {  	_ =	shalt  }
0x43: {  	_ =	shalt  }
0x44: {  	_ =	shalt  }
0x45: {  	_ =	shalt  }
0x46: {  	_ =	shalt  }
0x47: {  	_ =	shalt  }
0x48: {  	_ =	shalt  }
0x49: {  	_ =	shalt  }
0x4a: {  	_ =	shalt  }
0x4b: {  	_ =	shalt  }
0x4c: {  	_ =	shalt  }
0x4d: {  	_ =	shalt  }
0x4e: {  	_ =	shalt  }
0x4f: {  	_ =	shalt  }
0x50: {  	_ =	shalt  }
0x51: {  	_ =	shalt  }
0x52: {  	_ =	shalt  }
0x53: {  	_ =	shalt  }
0x54: {  	_ =	shalt  }
0x55: {  	_ =	shalt  }
0x56: {  	_ =	shalt  }
0x57: {  	_ =	shalt  }
0x58: {  	_ =	shalt  }
0x59: {  	_ =	shalt  }
0x5a: {  	_ =	shalt  }
0x5b: {  	_ =	shalt  }
0x5c: {  	_ =	shalt  }
0x5d: {  	_ =	shalt  }
0x5e: {  	_ =	shalt  }
0x5f: {  	_ =	shalt  }
0x60: {  	_ =	shalt  }
0x61: {  	_ =	shalt  }
0x62: {  	_ =	shalt  }
0x63: {  	_ =	shalt  }
0x64: {  	_ =	shalt  }
0x65: {  	_ =	shalt  }
0x66: {  	_ =	shalt  }
0x67: {  	_ =	shalt  }
0x68: {  	_ =	shalt  }
0x69: {  	_ =	shalt  }
0x6a: {  	_ =	shalt  }
0x6b: {  	_ =	shalt  }
0x6c: {  	_ =	shalt  }
0x6d: {  	_ =	shalt  }
0x6e: {  	_ =	shalt  }
0x6f: {  	_ =	shalt  }
0x70: {  	_ =	shalt  }
0x71: {  	_ =	shalt  }
0x72: {  	_ =	shalt  }
0x73: {  	_ =	shalt  }
0x74: {  	_ =	shalt  }
0x75: {  	_ =	shalt  }
0x76: {  	_ =	shalt  }
0x77: {  	_ =	shalt  }
0x78: {  	_ =	shalt  }
0x79: {  	_ =	shalt  }
0x7a: {  	_ =	shalt  }
0x7b: {  	_ =	shalt  }
0x7c: {  	_ =	shalt  }
0x7d: {  	_ =	shalt  }
0x7e: {  	_ =	shalt  }
0x7f: {  	_ =	shalt  }
0x80: {  	_ =	shalt  }
0x81: {  	_ =	shalt  }
0x82: {  	_ =	shalt  }
0x83: {  	_ =	shalt  }
0x84: {  	_ =	shalt  }
0x85: {  	_ =	shalt  }
0x86: {  	_ =	shalt  }
0x87: {  	_ =	shalt  }
.Lfunc_end0:
.L_simem_size_0:
called_computation.2_lowered:
.L_overlay_start_0:
0x88: {  	s2 =	sld [smem:$0x3FD9]  }
0x89: {  	s3 =	sld [smem:$0x3FFE];
	_ =	sdelay $0x1  }
0x8a: {  	s1 =	srdreg.scid  }
0x8b: {  	s0 =	sand.u32 $0x1, s1  }
0x8c: {  	s17 =	sshll.u32 s0, $0xA;
	s2 =	sadd.s32 s3, s2  }
0x8d: {  	s2 =	sadd.s32 s2, s17  }
0x8e: {  	[smem:$0x3FAB] =	sst s2  }
0x8f: {  	_ = 	snop  }
0x90: {  	(tm) =	ssettm $0x1  }
0x91: {  	s18 =	sld [smem:$0x3FFB];
	_ =	sdelay $0x3  }
0x92: {  	_ =	strace s18  }
0x93: {  	s2 =	sld [smem:$0x3FFC];
	_ =	sdelay $0x3  }
0x94: {  	_ =	strace s2  }
0x95: {  	s2 =	sld [smem:$0x3FFD];
	_ =	sdelay $0x3  }
0x96: {  	_ =	strace s2  }
0x97: {  	_ =	strace $0x8FFFFFFF  }
0x98: {  	s19 =	sld [smem:$0x3FDB];
	_ =	sdelay $0x1  }
0x99: {  	s20 =	simm.s32 $_scs_section_size  }
0x9a: {  	s4 =	simm.s32 $_size__tile_overlayer_lowered;
	s5 =	simm.s32 $_tile_overlayer_lowered  }
0x9b: {  	s6 =	simm.s32 $0x1BFF;
	s21 =	sshll.u32 s5, $0x1;
	s3 =	sadd.s32 s20, s19  }
0x9c: {  	s22 =	simm.s32 $0x0;
	s4 =	sshll.u32 s4, $0x1;
	s5 =	sadd.s32 s21, s3  }
0x9d: {  	[timem:s22], [sflag:s6] =	dma.local [hbm:s5], s4  }
0x9e: {  	_ =	swait.ge [sflag:s6], s4  }
0x9f: {  	s4 =	ssub.s32 $0x0, s4;
	[sflag:s6] =	ssyncset.done $0x0  }
0xa0: {  	[sflag:s6] =	ssyncadd.s32 s4;
	_ =	sdelay $0x1  }
0xa1: {  	s23 =	simm.s32 $0x1B8B  }
0xa2: {  	_ =	swait.ge [sflag:s23], $0x1  }
0xa3: {  	[sflag:s23] =	ssyncset.done $0x0  }
0xa4: {  	[sflag:s23] =	ssyncadd.s32 $0xFFFFFFFF  }
0xa5: {  	s4 =	sld [smem:$0x0]  }
0xa6: {  	s5 =	sand.u32 $0xFFFFFFFE, s1  }
0xa7: {  	p0 =	sne.s32 s1, s5  }
0xa8: {  	s5 =	sshll.u32 @p0 s5, $0xE  }
0xa9: {  	s5 =	sadd.s32 @p0 $0x11B8D, s5;
	s6 =	sshll.u32 @p0 s4, $0x11  }
0xaa: {  	s5 =	sor.u32 @p0 s6, s5  }
0xab: {  	[sflag:s5] =	ssyncadd.remote.s32 @p0 $0x1;
	_ =	sdelay $0x1  }
0xac: {  	s5 =	simm.s32 @p0 $0x1B8D  }
0xad: {  	_ =	swait.eq @p0 [sflag:s5], $0x1  }
0xae: {  	[sflag:s5] =	ssyncadd.s32 @p0 $0xFFFFFFFF  }
0xaf: {  	s6 =	sshll.u32 @!p0 s1, $0xE  }
0xb0: {  	s6 =	sor.u32 @!p0 $0x4000, s6;
	s5 =	simm.s32 @!p0 $0x1B8D  }
0xb1: {  	s4 =	sshll.u32 @!p0 s4, $0x11;
	s6 =	sadd.s32 @!p0 $0x11B8D, s6;
	_ =	swait.eq @!p0 [sflag:s5], $0x1  }
0xb2: {  	s4 =	sor.u32 @!p0 s4, s6;
	[sflag:s5] =	ssyncadd.s32 @!p0 $0xFFFFFFFF  }
0xb3: {  	s25 =	simm.s32 $0x1B8E;
	s24 =	sld [smem:$0x3FFE];
	[sflag:s4] =	ssyncadd.remote.s32 @!p0 $0x1  }
0xb4: {  	s26 =	simm.s32 $execute0_lowered;
	[smem:$0x3FD2] =	sst s25  }
0xb5: {  	s5 =	sshll.u32 s26, $0x1;
	_ =	strace $0x8000004C;
	[dreg:$0x1] =	wrdreg $0xFFFFFFFF  }
0xb6: {  	s28 =	simm.s32 $_size_execute0_lowered;
	s3 =	sadd.s32 s3, s5;
	[dreg:$0x0] =	wrdreg $0x0  }
0xb7: {  	s5 =	sshll.u32 s28, $0x1;
	[dreg:$0x2] =	wrdreg s3  }
0xb8: {  	[dreg:$0x3] =	wrdreg s5  }
0xb9: {  	[dreg:$0x4] =	wrdreg $0xC0  }
0xba: {  	_ =	task [dreg:s22], $0x5FFFF  }
0xbb: {  	[dreg:$0x1] =	wrdreg $0xFFFFFFFF  }
0xbc: {  	[dreg:$0x0] =	wrdreg $0x60  }
0xbd: {  	[dreg:$0x2] =	wrdreg s24  }
0xbe: {  	[dreg:$0x3] =	wrdreg $0xB  }
0xbf: {  	_ =	task.clear_ibuf [dreg:s22], $0x4FFFF;
	_ =	strace $0x9000004C  }
0xc0: {  	s29 =	simm.s32 $0xB;
	_ =	strace $0x8000004E  }
0xc1: {  	_ =	swait.ge [sflag:s29], $0x1  }
0xc2: {  	[sflag:s29] =	ssyncadd.s32 $0xFFFFFFFF  }
0xc3: {  	_ =	strace $0x9000004E  }
0xc4: {  	_ =	sfence  }
0xc5: {  	s30 =	sld [smem:$0x0];
	_ =	sdelay $0x2  }
0xc6: {  	s31 =	sshll.u32 s1, $0xD;
	s1 =	sshrl.u32 s1, $0x2  }
0xc7: {  	s4 =	sand.u32 $0x4000, s31;
	s1 =	sadd.s32 s1, s30  }
0xc8: {  	s0 =	sor.u32 s4, s0;
	s1 =	sshll.u32 s1, $0x11  }
0xc9: {  	s0 =	sor.u32 s1, s0  }
0xca: {  	s0 =	sadd.s32 $0x8F2B, s0  }
0xcb: {  	[sflag:s0] =	ssyncadd.remote.s32 $0x1  }
0xcc: {  	_ =	sfence.sel $0xFFFF  }
0xcd: {  	[dreg:$0x0] =	wrdreg $0xFFFFFFFF;
	(pc) =	sbr.abs _section_cstart, $3  }
0xce: {  	[dreg:$0x1] =	wrdreg $0xFFFFFFFF  }
0xcf: {  	_ =	task.clear_ibuf [dreg:s22], $0x2FFFF;
	_ =	strace $0x9FFFFFFF  }
0xd0: {  	(tm) =	ssettm $0x7FFFFFFF  }
0xd1: {  	_ =	shalt  }
tec
execute0_lowered:
.L_overlay_start_1:
0x0: {  	(tag) =	ssettag $0x1  }
0x1: {  	s1 =	srdreg.scid;
	s0 =	stileid.u32  }
0x2: {  	s6 =	sand.u32 $0x1, s1;
	s30 =	sshll.u32 s0, $0x1  }
0x3: {  	s8 =	rddreg [dreg:$0x0];
	s7 =	sor.u32 s6, s30  }
0x4: {  	s2 =	simm.s32 $0x0;
	s1 =	rddreg [dreg:$0x1];
	s3 =	smul.u32 $0x271, s7  }
0x5: {  	[smem:$0x7FF] =	sst s2;
	s5 =	sadd.s32 $0xB1000, s8  }
0x6: {  	_ =	strace $0x8000004D;
	s10 =	ssub.s32 $0x2, s6;
	s3 =	sadd.s32 s3, s8  }
0x7: {  	s6 =	simm.s32 $0x1388;
	s4 =	sadd.s32 $0x5C00, s3;
	s3 =	simm.s32 $0x2  }
0x8: {  	[tilespmem:s2], [sflag:$0x2] =	stream.linear.gather [hbm4b:s4+s2], $0x1388, $0x38;
	[tilespmem:$0x14C08] =	vst v63  }
0x9: {  	s9 =	smul.u32 $0x2710, s7;
	s11 =	sshrl.u32 s10, $0x1;
	_ =	swait.ge [sflag:s3], $0x1388  }
0xa: {  	s7 =	simm.s32 $0x1;
	s31 =	ssub.s32 s10, s11;
	[sflag:s3] =	ssyncset.done $0x0  }
0xb: {  	s8 =	sadd.s32 s9, s8;
	s9 =	smax.u32 s31, $0x1;
	[sflag:s3] =	ssyncadd.s32 $0xFFFFEC78  }
0xc: {  	[tilespmem:s6], [sflag:$0x1] =	stream.indirect.gather [hbm4b:s5+s6], $0x10, s2, s6, $0xb8;
	[tilespmem:$0x14C08] =	vst v63  }
0xd: {  	p0 =	sne.s32 s9, $0x1;
	_ =	swait.ge [sflag:s7], $0x13880  }
.Ltmp0:
0xe: {  	[sflag:s7] =	ssyncset.done $0x0;
	(pc) =	sbr.rel @!p0 .LBB2_2-.Ltmp0, $4  }
0xf: {  	s8 =	sadd.s32 $0xB6000, s8;
	[sflag:s7] =	ssyncadd.s32 $0xFFFEC780  }
0x10: {  	[hbm4b:s8+s2] =	stream.linear.scatter [tilespmem:s6], [sflag:$0x2], $0x13880, $0x38;
	[tilespmem:$0x14C08] =	vst v63  }
0x11: {  	_ =	swait.ge [sflag:s3], $0x13880  }
0x12: {  	s9 =	sadd.s32 $0xFFFFFFFF, s9;
	[sflag:s3] =	ssyncset.done $0x0  }
.LBB2_1:
0x13: {  	p0 =	sne.s32 s9, $0x1;
	s9 =	sadd.s32 $0xFFFFFFFF, s9;
	[sflag:s3] =	ssyncadd.s32 $0xFFFEC780  }
0x14: {  	[tilespmem:s2], [sflag:$0x2] =	stream.linear.gather [hbm4b:s4+s2], $0x1388, $0x38;
	[tilespmem:$0x14C08] =	vst v63  }
0x15: {  	_ =	swait.ge [sflag:s3], $0x1388  }
0x16: {  	[sflag:s3] =	ssyncset.done $0x0  }
0x17: {  	[sflag:s3] =	ssyncadd.s32 $0xFFFFEC78  }
0x18: {  	[tilespmem:s6], [sflag:$0x1] =	stream.indirect.gather [hbm4b:s5+s6], $0x10, s2, s6, $0xb8;
	[tilespmem:$0x14C08] =	vst v63  }
0x19: {  	_ =	swait.ge [sflag:s7], $0x13880  }
.Ltmp1:
0x1a: {  	[sflag:s7] =	ssyncset.done $0x0;
	(pc) =	sbr.rel @p0 .LBB2_1-.Ltmp1, $4  }
0x1b: {  	[sflag:s7] =	ssyncadd.s32 $0xFFFEC780  }
0x1c: {  	[hbm4b:s8+s2] =	stream.linear.scatter [tilespmem:s6], [sflag:$0x2], $0x13880, $0x38;
	[tilespmem:$0x14C08] =	vst v63  }
0x1d: {  	_ =	swait.ge [sflag:s3], $0x13880  }
0x1e: {  	[sflag:s3] =	ssyncset.done $0x0  }
.LBB2_2:
0x1f: {  	[sflag:s3] =	ssyncadd.s32 $0xFFFEC780  }
0x20: {  	_ =	sfence.sel $0x180000  }
0x21: {  	[bflag:$0x0] =	sbarrier.arrive $0xFFFF  }
0x22: {  	p0 =	sne.s32 s0, $0x0;
	_ =	strace $0x9000004D  }
0x23: {  	s0 =	sadd.s32 @!p0 $0x100000, s1;
	[bflag:$0x2] =	sbarrier.arrive $0xFFFF  }
0x24: {  	[sflag:s0] =	ssyncadd.tile.s32 @!p0 $0x1;
	_ =	shalt  }
.Lfunc_end2:
_tile_overlayer_lowered:
.L_overlay_start_2:
0x25: {  	(tag) =	ssettag $0x2  }
0x26: {  	s0 =	rddreg [dreg:$0x0];
	s2 =	stileid.u32  }
0x27: {  	s1 =	rddreg [dreg:$0x1];
	p0 =	sne.s32 s2, $0x0  }
0x28: {  	s3 =	rddreg [dreg:$0x2];
	[bflag:$0x3] =	sbarrier.arrive $0xFFFF;
	s2 =	simm.s32 @!p0 $0x1C02  }
0x29: {  	[timem:s3], [sflag:s2] =	dma.local @!p0 [hbm:s0], s1  }
0x2a: {  	s0 =	simm.s32 @!p0 $0x2  }
0x2b: {  	_ =	swait.ge @!p0 [sflag:s0], s1  }
0x2c: {  	s1 =	ssub.s32 @!p0 $0x0, s1;
	[sflag:s0] =	ssyncset.done @!p0 $0x0  }
0x2d: {  	[sflag:s0] =	ssyncadd.s32 @!p0 s1  }
0x2e: {  	[bflag:$0x3] =	sbarrier.arrive $0xFFFF  }
0x2f: {  	_ =	shalt  }

// kernel: kernel.23.cloned.1.call-start
scs
__scs_entry_jumppad:
0x0: {  	(pc) =	sbr.rel $0x88, $3  }
0x1: {  	(tag) =	ssettag $0x0;
	lr =	simm.s32 $0x1  }
0x2: {  	[smem:$0x3F84] =	sst lr;
	_ =	strace $0xD0000000  }
0x3: {  	_ = 	snop  }
0x4: {  	_ = 	snop  }
0x5: {  	_ = 	snop  }
0x6: {  	_ = 	snop  }
0x7: {  	_ = 	snop  }
__scs_overlays_trampoline_lowered:
0x8: {  	[smem:$0x3F93] =	sst s0  }
0x9: {  	[smem:$0x3F94] =	sst s1  }
0xa: {  	[smem:$0x3F95] =	sst s2  }
0xb: {  	[smem:$0x3F96] =	sst s3  }
0xc: {  	[smem:$0x3F97] =	sst s4  }
0xd: {  	[smem:$0x3F98] =	sst s5  }
0xe: {  	[smem:$0x3F99] =	sst s6  }
0xf: {  	[smem:$0x3F9A] =	sst s7  }
0x10: {  	[smem:$0x3F9B] =	sst s8  }
0x11: {  	[smem:$0x3F9C] =	sst s9;
	s0 =	simm.s32 @!p0 $0x0  }
0x12: {  	s1 =	sld [smem:$0x3F82];
	s0 =	simm.s32 @p0 $0x1  }
0x13: {  	[smem:$0x3F9D] =	sst s0;
	s0 =	simm.s32 @!p1 $0x0  }
0x14: {  	s2 =	sld [smem:$0x3F81];
	s0 =	simm.s32 @p1 $0x1  }
0x15: {  	[smem:$0x3F9E] =	sst s0;
	s0 =	simm.s32 @!p2 $0x0  }
0x16: {  	s3 =	sld [smem:$0x3FDB];
	s0 =	simm.s32 @p2 $0x1  }
0x17: {  	s4 =	simm.s32 $0x1BF5;
	[smem:$0x3FA0] =	sst s0  }
0x18: {  	s0 =	sld [smem:$0x3F83];
	_ =	swait.ge [sflag:s4], $0x0  }
0x19: {  	s7 =	sld [smem:$0x3F84]  }
0x1a: {  	s8 =	sadd.s32 $0xFFFFE003, lr  }
0x1b: {  	s9 =	sadd.s32 $0xFFFFFEF7, lr;
	s5 =	simm.s32 $0xFFFFFFFF;
	p2 =	slt.u32 s8, $0xFFFFF086  }
0x1c: {  	p1 =	slt.u32 s9, $0xF7A;
	s5 =	simm.s32 @!p2 $0x0  }
0x1d: {  	s5 =	simm.s32 @p1 $0x1;
	p0 =	seq.s32 s7, s2  }
0x1e: {  	s7 =	smul.u32 @!p0 $0xF7A, s2;
	p2 =	seq.s32 @!p0 s5, $0x0  }
0x1f: {  	s9 =	smul.u32 $0xF7A, s1;
	s8 =	simm.s32 @!p0 $0x1BF5;
	p2 =	por !p2, p0  }
0x20: {  	[sflag:s8] =	ssyncset.s32 @!p0 $0xFFFFF086;
	s6 =	sadd.s32 @!p0 s3, s7;
	s7 =	simm.s32 @!p0 $0x108  }
0x21: {  	s3 =	sadd.s32 s3, s9;
	s6 =	sadd.s32 @!p0 $0x88, s6;
	s7 =	simm.s32 @p2 $0x1082  }
0x22: {  	[simem:s7], [sflag:s8] =	dma.local @!p0 [hbm:s6], $0xF7A  }
0x23: {  	s9 =	sor.u32 $0xD0000000, s2;
	s6 =	simm.s32 $0x108;
	_ =	swait.ge @!p0 [sflag:s8], $0x0  }
0x24: {  	s3 =	sadd.s32 $0x88, s3;
	s6 =	simm.s32 @!p1 $0x1082;
	[sflag:s4] =	ssyncset.s32 $0xFFFFF086  }
0x25: {  	[simem:s6], [sflag:s4] =	dma.local [hbm:s3], $0xF7A  }
0x26: {  	[smem:$0x3F84] =	sst s1;
	(tag) =	ssettag s2;
	_ =	strace s9  }
0x27: {  	s1 =	sld [smem:$0x3F94]  }
0x28: {  	s2 =	sld [smem:$0x3F95]  }
0x29: {  	s4 =	sld [smem:$0x3F97]  }
0x2a: {  	p0 =	seq.s32 s5, $0x0;
	s5 =	sld [smem:$0x3F98]  }
0x2b: {  	s6 =	sld [smem:$0x3F99]  }
0x2c: {  	s7 =	sld [smem:$0x3F9A]  }
0x2d: {  	s3 =	simm.s32 $0x108;
	s8 =	sld [smem:$0x3F9B]  }
0x2e: {  	s3 =	simm.s32 @!p0 $0x1082;
	s9 =	sld [smem:$0x3F9C]  }
0x2f: {  	lr =	sadd.s32 s0, s3;
	s0 =	sld [smem:$0x3F93]  }
0x30: {  	s3 =	sld [smem:$0x3F96]  }
0x31: {  	[smem:$0x3F9F] =	sst s10  }
0x32: {  	s10 =	sld [smem:$0x3F9D];
	_ =	sdelay $0x3  }
0x33: {  	p0 =	seq.s32 s10, $0x1;
	s10 =	sld [smem:$0x3F9F];
	_ =	sdelay $0x3  }
0x34: {  	[smem:$0x3F9F] =	sst s10  }
0x35: {  	s10 =	sld [smem:$0x3F9E];
	_ =	sdelay $0x3  }
0x36: {  	p1 =	seq.s32 s10, $0x1;
	s10 =	sld [smem:$0x3F9F];
	_ =	sdelay $0x3  }
0x37: {  	[smem:$0x3F9F] =	sst s10  }
0x38: {  	s10 =	sld [smem:$0x3FA0]  }
0x39: {  	_ = 	snop;
	(pc) =	sbr.ind lr, $3  }
0x3a: {  	_ = 	snop  }
0x3b: {  	_ = 	snop  }
0x3c: {  	p2 =	seq.s32 s10, $0x1;
	s10 =	sld [smem:$0x3F9F]  }
0x3d: {  	_ =	shalt  }
0x3e: {  	_ =	shalt  }
0x3f: {  	_ =	shalt  }
0x40: {  	_ =	shalt  }
0x41: {  	_ =	shalt  }
0x42: {  	_ =	shalt  }
0x43: {  	_ =	shalt  }
0x44: {  	_ =	shalt  }
0x45: {  	_ =	shalt  }
0x46: {  	_ =	shalt  }
0x47: {  	_ =	shalt  }
0x48: {  	_ =	shalt  }
0x49: {  	_ =	shalt  }
0x4a: {  	_ =	shalt  }
0x4b: {  	_ =	shalt  }
0x4c: {  	_ =	shalt  }
0x4d: {  	_ =	shalt  }
0x4e: {  	_ =	shalt  }
0x4f: {  	_ =	shalt  }
0x50: {  	_ =	shalt  }
0x51: {  	_ =	shalt  }
0x52: {  	_ =	shalt  }
0x53: {  	_ =	shalt  }
0x54: {  	_ =	shalt  }
0x55: {  	_ =	shalt  }
0x56: {  	_ =	shalt  }
0x57: {  	_ =	shalt  }
0x58: {  	_ =	shalt  }
0x59: {  	_ =	shalt  }
0x5a: {  	_ =	shalt  }
0x5b: {  	_ =	shalt  }
0x5c: {  	_ =	shalt  }
0x5d: {  	_ =	shalt  }
0x5e: {  	_ =	shalt  }
0x5f: {  	_ =	shalt  }
0x60: {  	_ =	shalt  }
0x61: {  	_ =	shalt  }
0x62: {  	_ =	shalt  }
0x63: {  	_ =	shalt  }
0x64: {  	_ =	shalt  }
0x65: {  	_ =	shalt  }
0x66: {  	_ =	shalt  }
0x67: {  	_ =	shalt  }
0x68: {  	_ =	shalt  }
0x69: {  	_ =	shalt  }
0x6a: {  	_ =	shalt  }
0x6b: {  	_ =	shalt  }
0x6c: {  	_ =	shalt  }
0x6d: {  	_ =	shalt  }
0x6e: {  	_ =	shalt  }
0x6f: {  	_ =	shalt  }
0x70: {  	_ =	shalt  }
0x71: {  	_ =	shalt  }
0x72: {  	_ =	shalt  }
0x73: {  	_ =	shalt  }
0x74: {  	_ =	shalt  }
0x75: {  	_ =	shalt  }
0x76: {  	_ =	shalt  }
0x77: {  	_ =	shalt  }
0x78: {  	_ =	shalt  }
0x79: {  	_ =	shalt  }
0x7a: {  	_ =	shalt  }
0x7b: {  	_ =	shalt  }
0x7c: {  	_ =	shalt  }
0x7d: {  	_ =	shalt  }
0x7e: {  	_ =	shalt  }
0x7f: {  	_ =	shalt  }
0x80: {  	_ =	shalt  }
0x81: {  	_ =	shalt  }
0x82: {  	_ =	shalt  }
0x83: {  	_ =	shalt  }
0x84: {  	_ =	shalt  }
0x85: {  	_ =	shalt  }
0x86: {  	_ =	shalt  }
0x87: {  	_ =	shalt  }
.Lfunc_end0:
.L_simem_size_0:
called_computation.3_lowered:
.L_overlay_start_0:
0x88: {  	s2 =	sld [smem:$0x3FD9]  }
0x89: {  	s3 =	sld [smem:$0x3FFE];
	_ =	sdelay $0x1  }
0x8a: {  	s1 =	srdreg.scid  }
0x8b: {  	s0 =	sand.u32 $0x1, s1  }
0x8c: {  	s16 =	sshll.u32 s0, $0xA;
	s2 =	sadd.s32 s3, s2  }
0x8d: {  	s2 =	sadd.s32 s2, s16  }
0x8e: {  	[smem:$0x3FAB] =	sst s2  }
0x8f: {  	_ = 	snop  }
0x90: {  	(tm) =	ssettm $0x1  }
0x91: {  	s17 =	sld [smem:$0x3FFB];
	_ =	sdelay $0x3  }
0x92: {  	_ =	strace s17  }
0x93: {  	s2 =	sld [smem:$0x3FFC];
	_ =	sdelay $0x3  }
0x94: {  	_ =	strace s2  }
0x95: {  	s2 =	sld [smem:$0x3FFD];
	_ =	sdelay $0x3  }
0x96: {  	_ =	strace s2  }
0x97: {  	_ =	strace $0x8FFFFFFF  }
0x98: {  	s18 =	sld [smem:$0x3FDB];
	_ =	sdelay $0x1  }
0x99: {  	s19 =	simm.s32 $_scs_section_size  }
0x9a: {  	s4 =	simm.s32 $_size__tile_overlayer_lowered;
	s5 =	simm.s32 $_tile_overlayer_lowered  }
0x9b: {  	s22 =	simm.s32 $0x1BFF;
	s21 =	sshll.u32 s5, $0x1;
	s2 =	sadd.s32 s19, s18  }
0x9c: {  	s6 =	simm.s32 $0x0;
	s20 =	sshll.u32 s4, $0x1;
	s4 =	sadd.s32 s21, s2  }
0x9d: {  	[timem:s6], [sflag:s22] =	dma.local [hbm:s4], s20  }
0x9e: {  	_ =	swait.ge [sflag:s22], s20  }
0x9f: {  	s3 =	ssub.s32 $0x0, s20;
	[sflag:s22] =	ssyncset.done $0x0  }
0xa0: {  	[sflag:s22] =	ssyncadd.s32 s3;
	_ =	sdelay $0x1  }
0xa1: {  	s23 =	simm.s32 $0x1B8B  }
0xa2: {  	_ =	swait.ge [sflag:s23], $0x1  }
0xa3: {  	[sflag:s23] =	ssyncset.done $0x0  }
0xa4: {  	s25 =	simm.s32 $0x1B8E;
	s24 =	sld [smem:$0x3FFE];
	[sflag:s23] =	ssyncadd.s32 $0xFFFFFFFF  }
0xa5: {  	s26 =	simm.s32 $execute0_lowered;
	[smem:$0x3FD2] =	sst s25  }
0xa6: {  	s4 =	sshll.u32 s26, $0x1;
	_ =	strace $0x8000004F;
	[dreg:$0x1] =	wrdreg $0xFFFFFFFF  }
0xa7: {  	s28 =	simm.s32 $_size_execute0_lowered;
	s2 =	sadd.s32 s2, s4;
	[dreg:$0x0] =	wrdreg $0x0  }
0xa8: {  	s4 =	sshll.u32 s28, $0x1;
	[dreg:$0x2] =	wrdreg s2  }
0xa9: {  	[dreg:$0x3] =	wrdreg s4  }
0xaa: {  	[dreg:$0x4] =	wrdreg $0xC0  }
0xab: {  	_ =	task [dreg:s6], $0x5FFFF  }
0xac: {  	[dreg:$0x1] =	wrdreg $0xFFFFFFFF  }
0xad: {  	[dreg:$0x0] =	wrdreg $0x60  }
0xae: {  	[dreg:$0x2] =	wrdreg s24  }
0xaf: {  	[dreg:$0x3] =	wrdreg $0x173180  }
0xb0: {  	[dreg:$0x4] =	wrdreg $0x9  }
0xb1: {  	_ =	task.clear_ibuf [dreg:s6], $0x5FFFF;
	_ =	strace $0x9000004F  }
0xb2: {  	s29 =	simm.s32 $0x9;
	_ =	strace $0x80000051  }
0xb3: {  	_ =	swait.ge [sflag:s29], $0x1  }
0xb4: {  	[sflag:s29] =	ssyncadd.s32 $0xFFFFFFFF  }
0xb5: {  	_ =	strace $0x90000051  }
0xb6: {  	_ =	sfence  }
0xb7: {  	s30 =	sld [smem:$0x0];
	_ =	sdelay $0x2  }
0xb8: {  	s31 =	sshll.u32 s1, $0xD;
	s1 =	sshrl.u32 s1, $0x2  }
0xb9: {  	s3 =	sand.u32 $0x4000, s31;
	s1 =	sadd.s32 s1, s30  }
0xba: {  	s0 =	sor.u32 s3, s0;
	s1 =	sshll.u32 s1, $0x11  }
0xbb: {  	s0 =	sor.u32 s1, s0  }
0xbc: {  	s0 =	sadd.s32 $0x8F2B, s0  }
0xbd: {  	[sflag:s0] =	ssyncadd.remote.s32 $0x1  }
0xbe: {  	_ =	sfence.sel $0xFFFF  }
0xbf: {  	[dreg:$0x0] =	wrdreg $0xFFFFFFFF;
	(pc) =	sbr.abs _section_cstart, $3  }
0xc0: {  	[dreg:$0x1] =	wrdreg $0xFFFFFFFF  }
0xc1: {  	_ =	task.clear_ibuf [dreg:s6], $0x2FFFF;
	_ =	strace $0x9FFFFFFF  }
0xc2: {  	(tm) =	ssettm $0x7FFFFFFF  }
0xc3: {  	_ =	shalt  }
tec
execute0_lowered:
.L_overlay_start_1:
0x0: {  	(tag) =	ssettag $0x1  }
0x1: {  	s4 =	rddreg [dreg:$0x0]  }
0x2: {  	s2 =	rddreg [dreg:$0x1]  }
0x3: {  	s0 =	rddreg [dreg:$0x2];
	s3 =	simm.s32 $0x0;
	s5 =	srdreg.scid  }
0x4: {  	s1 =	stileid.u32;
	s11 =	simm.s32 $0x1388;
	s12 =	simm.s32 $0x0  }
0x5: {  	s5 =	sand.u32 $0x1, s5;
	s6 =	sshll.u32 s1, $0x1;
	s7 =	smul.u32 $0x2710, s1  }
0x6: {  	[smem:$0x7FF] =	sst s3;
	s6 =	sor.u32 s5, s6;
	s8 =	smul.u32 $0x27100, s5  }
0x7: {  	_ =	strace $0x80000050;
	s5 =	ssub.s32 $0x2, s5;
	s9 =	smul.u32 $0x2710, s6  }
0x8: {  	s6 =	smul.u32 $0x271, s6;
	s10 =	sshrl.u32 s5, $0x1;
	s8 =	sadd.s32 s7, s8  }
0x9: {  	s10 =	ssub.s32 s5, s10;
	s9 =	sadd.s32 s9, s4;
	s8 =	sshrl.u32 s8, $0x3  }
0xa: {  	s6 =	sadd.s32 s6, s4;
	s8 =	sadd.s32 s8, s4;
	s4 =	sadd.s32 s7, s2  }
0xb: {  	s5 =	sadd.s32 $0xAC00, s6;
	s6 =	sadd.s32 $0xB1000, s9;
	s9 =	simm.s32 $0x14C08  }
0xc: {  	v0 =	vimm.f32 $0.0e+00;
	s7 =	sadd.s32 $0xFF200, s8;
	s8 =	smax.u32 s10, $0x1;
	s10 =	simm.s32 $0x1  }
.LBB2_1:
0xd: {  	s13 =	simm.s32 $0x40;
	s14 =	simm.s32 $0x0  }
.LBB2_2:
0xe: {  	p0 =	sne.s32 s13, $0x9C00;
	[tilespmem:s14+$0x14C08] =	vst v0;
	s14 =	smov.u32 s13;
	s13 =	sadd.s32 $0x40, s13  }
.Ltmp0:
0xf: {  	(pc) =	sbr.rel @p0 .LBB2_2-.Ltmp0, $2  }
0x10: {  	_ =	sdelay $0x2  }
0x11: {  	s14 =	sshra.s32 s14, $0x2  }
0x12: {  	[tilespmem:s14+$0x14C08] =	vst v0  }
0x13: {  	[spmem:s4] =	stream.linear.scatter [tilespmem:s9], [sflag:$0x1], $0x2710, $0x38;
	[tilespmem:$0x19A28] =	vst v63  }
0x14: {  	_ =	swait.ge [sflag:s10], $0x2710  }
0x15: {  	[sflag:s10] =	ssyncset.done $0x0  }
0x16: {  	[sflag:s10] =	ssyncadd.s32 $0xFFFFD8F0  }
0x17: {  	[bflag:$0x0] =	sbarrier.arrive $0xFFFF  }
0x18: {  	[tilespmem:s3], [sflag:$0x1] =	stream.linear.gather [hbm4b:s5+s3], $0x1388, $0x38;
	[tilespmem:$0x19A28] =	vst v63  }
0x19: {  	_ =	swait.ge [sflag:s10], $0x1388  }
0x1a: {  	[sflag:s10] =	ssyncset.done $0x0  }
0x1b: {  	[sflag:s10] =	ssyncadd.s32 $0xFFFFEC78  }
0x1c: {  	[tilespmem:s11], [sflag:$0x1] =	stream.linear.gather [hbm4b:s6+s3], $0x13880, $0x38;
	[tilespmem:$0x19A28] =	vst v63  }
0x1d: {  	_ =	swait.ge [sflag:s10], $0x13880  }
0x1e: {  	[sflag:s10] =	ssyncset.done $0x0  }
0x1f: {  	[sflag:s10] =	ssyncadd.s32 $0xFFFEC780  }
0x20: {  	[spmem:s2] =	stream.indirect.scatter.add.f32 [tilespmem:s11], [sflag:$0x1], $0x10, s3, s11, $0xb8;
	[tilespmem:$0x19A28] =	vst v63  }
0x21: {  	_ =	swait.ge [sflag:s10], $0x13880  }
0x22: {  	[sflag:s10] =	ssyncset.done $0x0  }
0x23: {  	[sflag:s10] =	ssyncadd.s32 $0xFFFEC780  }
0x24: {  	[bflag:$0x0] =	sbarrier.arrive $0xFFFF  }
0x25: {  	[tilespmem:s9], [sflag:$0x1] =	stream.linear.gather [spmem:s4], $0x2710, $0x38;
	[tilespmem:$0x19A28] =	vst v63  }
0x26: {  	s12 =	sadd.s32 $0x1, s12;
	_ =	swait.ge [sflag:s10], $0x2710  }
0x27: {  	p0 =	sne.s32 s12, s8;
	[sflag:s10] =	ssyncset.done $0x0  }
.Ltmp1:
0x28: {  	[sflag:s10] =	ssyncadd.s32 $0xFFFFD8F0;
	(pc) =	sbr.rel @p0 .LBB2_1-.Ltmp1, $4  }
0x29: {  	[hbm4b:s7+s3] =	stream.linear.scatter [tilespmem:s9], [sflag:$0x1], $0x2710, $0x38;
	[tilespmem:$0x19A28] =	vst v63  }
0x2a: {  	_ =	swait.ge [sflag:s10], $0x2710  }
0x2b: {  	[sflag:s10] =	ssyncset.done $0x0  }
0x2c: {  	[sflag:s10] =	ssyncadd.s32 $0xFFFFD8F0  }
0x2d: {  	_ =	sfence.sel $0x180000  }
0x2e: {  	[bflag:$0x0] =	sbarrier.arrive $0xFFFF  }
0x2f: {  	p0 =	sne.s32 s1, $0x0;
	_ =	strace $0x90000050  }
0x30: {  	s0 =	sadd.s32 @!p0 $0x100000, s0;
	[bflag:$0x2] =	sbarrier.arrive $0xFFFF  }
0x31: {  	[sflag:s0] =	ssyncadd.tile.s32 @!p0 $0x1;
	_ =	shalt  }
.Lfunc_end2:
_tile_overlayer_lowered:
.L_overlay_start_2:
0x32: {  	(tag) =	ssettag $0x2  }
0x33: {  	s0 =	rddreg [dreg:$0x0];
	s2 =	stileid.u32  }
0x34: {  	s1 =	rddreg [dreg:$0x1];
	p0 =	sne.s32 s2, $0x0  }
0x35: {  	s3 =	rddreg [dreg:$0x2];
	[bflag:$0x3] =	sbarrier.arrive $0xFFFF;
	s2 =	simm.s32 @!p0 $0x1C01  }
0x36: {  	[timem:s3], [sflag:s2] =	dma.local @!p0 [hbm:s0], s1  }
0x37: {  	s0 =	simm.s32 @!p0 $0x1  }
0x38: {  	_ =	swait.ge @!p0 [sflag:s0], s1  }
0x39: {  	s1 =	ssub.s32 @!p0 $0x0, s1;
	[sflag:s0] =	ssyncset.done @!p0 $0x0  }
0x3a: {  	[sflag:s0] =	ssyncadd.s32 @!p0 s1  }
0x3b: {  	[bflag:$0x3] =	sbarrier.arrive $0xFFFF  }
0x3c: {  	_ =	shalt  }

// kernel: kernel.26.cloned.1.call-start
scs
__scs_entry_jumppad:
0x0: {  	(pc) =	sbr.rel $0x88, $3  }
0x1: {  	(tag) =	ssettag $0x0;
	lr =	simm.s32 $0x1  }
0x2: {  	[smem:$0x3F84] =	sst lr;
	_ =	strace $0xD0000000  }
0x3: {  	_ = 	snop  }
0x4: {  	_ = 	snop  }
0x5: {  	_ = 	snop  }
0x6: {  	_ = 	snop  }
0x7: {  	_ = 	snop  }
__scs_overlays_trampoline_lowered:
0x8: {  	[smem:$0x3F93] =	sst s0  }
0x9: {  	[smem:$0x3F94] =	sst s1  }
0xa: {  	[smem:$0x3F95] =	sst s2  }
0xb: {  	[smem:$0x3F96] =	sst s3  }
0xc: {  	[smem:$0x3F97] =	sst s4  }
0xd: {  	[smem:$0x3F98] =	sst s5  }
0xe: {  	[smem:$0x3F99] =	sst s6  }
0xf: {  	[smem:$0x3F9A] =	sst s7  }
0x10: {  	[smem:$0x3F9B] =	sst s8  }
0x11: {  	[smem:$0x3F9C] =	sst s9;
	s0 =	simm.s32 @!p0 $0x0  }
0x12: {  	s1 =	sld [smem:$0x3F82];
	s0 =	simm.s32 @p0 $0x1  }
0x13: {  	[smem:$0x3F9D] =	sst s0;
	s0 =	simm.s32 @!p1 $0x0  }
0x14: {  	s2 =	sld [smem:$0x3F81];
	s0 =	simm.s32 @p1 $0x1  }
0x15: {  	[smem:$0x3F9E] =	sst s0;
	s0 =	simm.s32 @!p2 $0x0  }
0x16: {  	s3 =	sld [smem:$0x3FDB];
	s0 =	simm.s32 @p2 $0x1  }
0x17: {  	s4 =	simm.s32 $0x1BF5;
	[smem:$0x3FA0] =	sst s0  }
0x18: {  	s0 =	sld [smem:$0x3F83];
	_ =	swait.ge [sflag:s4], $0x0  }
0x19: {  	s7 =	sld [smem:$0x3F84]  }
0x1a: {  	s8 =	sadd.s32 $0xFFFFE003, lr  }
0x1b: {  	s9 =	sadd.s32 $0xFFFFFEF7, lr;
	s5 =	simm.s32 $0xFFFFFFFF;
	p2 =	slt.u32 s8, $0xFFFFF086  }
0x1c: {  	p1 =	slt.u32 s9, $0xF7A;
	s5 =	simm.s32 @!p2 $0x0  }
0x1d: {  	s5 =	simm.s32 @p1 $0x1;
	p0 =	seq.s32 s7, s2  }
0x1e: {  	s7 =	smul.u32 @!p0 $0xF7A, s2;
	p2 =	seq.s32 @!p0 s5, $0x0  }
0x1f: {  	s9 =	smul.u32 $0xF7A, s1;
	s8 =	simm.s32 @!p0 $0x1BF5;
	p2 =	por !p2, p0  }
0x20: {  	[sflag:s8] =	ssyncset.s32 @!p0 $0xFFFFF086;
	s6 =	sadd.s32 @!p0 s3, s7;
	s7 =	simm.s32 @!p0 $0x108  }
0x21: {  	s3 =	sadd.s32 s3, s9;
	s6 =	sadd.s32 @!p0 $0x88, s6;
	s7 =	simm.s32 @p2 $0x1082  }
0x22: {  	[simem:s7], [sflag:s8] =	dma.local @!p0 [hbm:s6], $0xF7A  }
0x23: {  	s9 =	sor.u32 $0xD0000000, s2;
	s6 =	simm.s32 $0x108;
	_ =	swait.ge @!p0 [sflag:s8], $0x0  }
0x24: {  	s3 =	sadd.s32 $0x88, s3;
	s6 =	simm.s32 @!p1 $0x1082;
	[sflag:s4] =	ssyncset.s32 $0xFFFFF086  }
0x25: {  	[simem:s6], [sflag:s4] =	dma.local [hbm:s3], $0xF7A  }
0x26: {  	[smem:$0x3F84] =	sst s1;
	(tag) =	ssettag s2;
	_ =	strace s9  }
0x27: {  	s1 =	sld [smem:$0x3F94]  }
0x28: {  	s2 =	sld [smem:$0x3F95]  }
0x29: {  	s4 =	sld [smem:$0x3F97]  }
0x2a: {  	p0 =	seq.s32 s5, $0x0;
	s5 =	sld [smem:$0x3F98]  }
0x2b: {  	s6 =	sld [smem:$0x3F99]  }
0x2c: {  	s7 =	sld [smem:$0x3F9A]  }
0x2d: {  	s3 =	simm.s32 $0x108;
	s8 =	sld [smem:$0x3F9B]  }
0x2e: {  	s3 =	simm.s32 @!p0 $0x1082;
	s9 =	sld [smem:$0x3F9C]  }
0x2f: {  	lr =	sadd.s32 s0, s3;
	s0 =	sld [smem:$0x3F93]  }
0x30: {  	s3 =	sld [smem:$0x3F96]  }
0x31: {  	[smem:$0x3F9F] =	sst s10  }
0x32: {  	s10 =	sld [smem:$0x3F9D];
	_ =	sdelay $0x3  }
0x33: {  	p0 =	seq.s32 s10, $0x1;
	s10 =	sld [smem:$0x3F9F];
	_ =	sdelay $0x3  }
0x34: {  	[smem:$0x3F9F] =	sst s10  }
0x35: {  	s10 =	sld [smem:$0x3F9E];
	_ =	sdelay $0x3  }
0x36: {  	p1 =	seq.s32 s10, $0x1;
	s10 =	sld [smem:$0x3F9F];
	_ =	sdelay $0x3  }
0x37: {  	[smem:$0x3F9F] =	sst s10  }
0x38: {  	s10 =	sld [smem:$0x3FA0]  }
0x39: {  	_ = 	snop;
	(pc) =	sbr.ind lr, $3  }
0x3a: {  	_ = 	snop  }
0x3b: {  	_ = 	snop  }
0x3c: {  	p2 =	seq.s32 s10, $0x1;
	s10 =	sld [smem:$0x3F9F]  }
0x3d: {  	_ =	shalt  }
0x3e: {  	_ =	shalt  }
0x3f: {  	_ =	shalt  }
0x40: {  	_ =	shalt  }
0x41: {  	_ =	shalt  }
0x42: {  	_ =	shalt  }
0x43: {  	_ =	shalt  }
0x44: {  	_ =	shalt  }
0x45: {  	_ =	shalt  }
0x46: {  	_ =	shalt  }
0x47: {  	_ =	shalt  }
0x48: {  	_ =	shalt  }
0x49: {  	_ =	shalt  }
0x4a: {  	_ =	shalt  }
0x4b: {  	_ =	shalt  }
0x4c: {  	_ =	shalt  }
0x4d: {  	_ =	shalt  }
0x4e: {  	_ =	shalt  }
0x4f: {  	_ =	shalt  }
0x50: {  	_ =	shalt  }
0x51: {  	_ =	shalt  }
0x52: {  	_ =	shalt  }
0x53: {  	_ =	shalt  }
0x54: {  	_ =	shalt  }
0x55: {  	_ =	shalt  }
0x56: {  	_ =	shalt  }
0x57: {  	_ =	shalt  }
0x58: {  	_ =	shalt  }
0x59: {  	_ =	shalt  }
0x5a: {  	_ =	shalt  }
0x5b: {  	_ =	shalt  }
0x5c: {  	_ =	shalt  }
0x5d: {  	_ =	shalt  }
0x5e: {  	_ =	shalt  }
0x5f: {  	_ =	shalt  }
0x60: {  	_ =	shalt  }
0x61: {  	_ =	shalt  }
0x62: {  	_ =	shalt  }
0x63: {  	_ =	shalt  }
0x64: {  	_ =	shalt  }
0x65: {  	_ =	shalt  }
0x66: {  	_ =	shalt  }
0x67: {  	_ =	shalt  }
0x68: {  	_ =	shalt  }
0x69: {  	_ =	shalt  }
0x6a: {  	_ =	shalt  }
0x6b: {  	_ =	shalt  }
0x6c: {  	_ =	shalt  }
0x6d: {  	_ =	shalt  }
0x6e: {  	_ =	shalt  }
0x6f: {  	_ =	shalt  }
0x70: {  	_ =	shalt  }
0x71: {  	_ =	shalt  }
0x72: {  	_ =	shalt  }
0x73: {  	_ =	shalt  }
0x74: {  	_ =	shalt  }
0x75: {  	_ =	shalt  }
0x76: {  	_ =	shalt  }
0x77: {  	_ =	shalt  }
0x78: {  	_ =	shalt  }
0x79: {  	_ =	shalt  }
0x7a: {  	_ =	shalt  }
0x7b: {  	_ =	shalt  }
0x7c: {  	_ =	shalt  }
0x7d: {  	_ =	shalt  }
0x7e: {  	_ =	shalt  }
0x7f: {  	_ =	shalt  }
0x80: {  	_ =	shalt  }
0x81: {  	_ =	shalt  }
0x82: {  	_ =	shalt  }
0x83: {  	_ =	shalt  }
0x84: {  	_ =	shalt  }
0x85: {  	_ =	shalt  }
0x86: {  	_ =	shalt  }
0x87: {  	_ =	shalt  }
.Lfunc_end0:
.L_simem_size_0:
called_computation.4_lowered:
.L_overlay_start_0:
0x88: {  	s2 =	sld [smem:$0x3FD9]  }
0x89: {  	s3 =	sld [smem:$0x3FFE];
	_ =	sdelay $0x1  }
0x8a: {  	s1 =	srdreg.scid  }
0x8b: {  	s0 =	sand.u32 $0x1, s1  }
0x8c: {  	s16 =	sshll.u32 s0, $0xA;
	s2 =	sadd.s32 s3, s2  }
0x8d: {  	s2 =	sadd.s32 s2, s16  }
0x8e: {  	[smem:$0x3FAB] =	sst s2  }
0x8f: {  	_ = 	snop  }
0x90: {  	(tm) =	ssettm $0x1  }
0x91: {  	s17 =	sld [smem:$0x3FFB];
	_ =	sdelay $0x3  }
0x92: {  	_ =	strace s17  }
0x93: {  	s2 =	sld [smem:$0x3FFC];
	_ =	sdelay $0x3  }
0x94: {  	_ =	strace s2  }
0x95: {  	s2 =	sld [smem:$0x3FFD];
	_ =	sdelay $0x3  }
0x96: {  	_ =	strace s2  }
0x97: {  	_ =	strace $0x8FFFFFFF  }
0x98: {  	s18 =	sld [smem:$0x3FDB];
	_ =	sdelay $0x1  }
0x99: {  	s19 =	simm.s32 $_scs_section_size  }
0x9a: {  	s4 =	simm.s32 $_size__tile_overlayer_lowered;
	s5 =	simm.s32 $_tile_overlayer_lowered  }
0x9b: {  	s22 =	simm.s32 $0x1BFF;
	s21 =	sshll.u32 s5, $0x1;
	s2 =	sadd.s32 s19, s18  }
0x9c: {  	s6 =	simm.s32 $0x0;
	s20 =	sshll.u32 s4, $0x1;
	s4 =	sadd.s32 s21, s2  }
0x9d: {  	[timem:s6], [sflag:s22] =	dma.local [hbm:s4], s20  }
0x9e: {  	_ =	swait.ge [sflag:s22], s20  }
0x9f: {  	s3 =	ssub.s32 $0x0, s20;
	[sflag:s22] =	ssyncset.done $0x0  }
0xa0: {  	[sflag:s22] =	ssyncadd.s32 s3;
	_ =	sdelay $0x1  }
0xa1: {  	s23 =	simm.s32 $0x1B8B  }
0xa2: {  	_ =	swait.ge [sflag:s23], $0x1  }
0xa3: {  	[sflag:s23] =	ssyncset.done $0x0  }
0xa4: {  	s25 =	simm.s32 $0x1B8E;
	s24 =	sld [smem:$0x3FFE];
	[sflag:s23] =	ssyncadd.s32 $0xFFFFFFFF  }
0xa5: {  	s26 =	simm.s32 $execute0_lowered;
	[smem:$0x3FD2] =	sst s25  }
0xa6: {  	s4 =	sshll.u32 s26, $0x1;
	_ =	strace $0x80000052;
	[dreg:$0x1] =	wrdreg $0xFFFFFFFF  }
0xa7: {  	s28 =	simm.s32 $_size_execute0_lowered;
	s2 =	sadd.s32 s2, s4;
	[dreg:$0x0] =	wrdreg $0x0  }
0xa8: {  	s4 =	sshll.u32 s28, $0x1;
	[dreg:$0x2] =	wrdreg s2  }
0xa9: {  	[dreg:$0x3] =	wrdreg s4  }
0xaa: {  	[dreg:$0x4] =	wrdreg $0xC0  }
0xab: {  	_ =	task [dreg:s6], $0x5FFFF  }
0xac: {  	[dreg:$0x1] =	wrdreg $0xFFFFFFFF  }
0xad: {  	[dreg:$0x0] =	wrdreg $0x60  }
0xae: {  	[dreg:$0x2] =	wrdreg s24  }
0xaf: {  	[dreg:$0x3] =	wrdreg $0x9  }
0xb0: {  	_ =	task.clear_ibuf [dreg:s6], $0x4FFFF;
	_ =	strace $0x90000052  }
0xb1: {  	s29 =	simm.s32 $0x9;
	_ =	strace $0x80000054  }
0xb2: {  	_ =	swait.ge [sflag:s29], $0x1  }
0xb3: {  	[sflag:s29] =	ssyncadd.s32 $0xFFFFFFFF  }
0xb4: {  	_ =	strace $0x90000054  }
0xb5: {  	_ =	sfence  }
0xb6: {  	s30 =	sld [smem:$0x0];
	_ =	sdelay $0x2  }
0xb7: {  	s31 =	sshll.u32 s1, $0xD;
	s1 =	sshrl.u32 s1, $0x2  }
0xb8: {  	s3 =	sand.u32 $0x4000, s31;
	s1 =	sadd.s32 s1, s30  }
0xb9: {  	s0 =	sor.u32 s3, s0;
	s1 =	sshll.u32 s1, $0x11  }
0xba: {  	s0 =	sor.u32 s1, s0  }
0xbb: {  	s0 =	sadd.s32 $0x8F2B, s0  }
0xbc: {  	[sflag:s0] =	ssyncadd.remote.s32 $0x1  }
0xbd: {  	_ =	sfence.sel $0xFFFF  }
0xbe: {  	[dreg:$0x0] =	wrdreg $0xFFFFFFFF;
	(pc) =	sbr.abs _section_cstart, $3  }
0xbf: {  	[dreg:$0x1] =	wrdreg $0xFFFFFFFF  }
0xc0: {  	_ =	task.clear_ibuf [dreg:s6], $0x2FFFF;
	_ =	strace $0x9FFFFFFF  }
0xc1: {  	(tm) =	ssettm $0x7FFFFFFF  }
tec
execute0_lowered:
.L_overlay_start_1:
0x0: {  	(tag) =	ssettag $0x1  }
0x1: {  	s1 =	srdreg.scid;
	s0 =	stileid.u32  }
0x2: {  	s6 =	sand.u32 $0x1, s1;
	s30 =	sshll.u32 s0, $0x1  }
0x3: {  	s8 =	rddreg [dreg:$0x0];
	s7 =	sor.u32 s6, s30  }
0x4: {  	s2 =	simm.s32 $0x0;
	s1 =	rddreg [dreg:$0x1];
	s3 =	smul.u32 $0x271, s7  }
0x5: {  	[smem:$0x7FF] =	sst s2;
	s5 =	sadd.s32 $0xFC00, s8  }
0x6: {  	_ =	strace $0x80000053;
	s10 =	ssub.s32 $0x2, s6;
	s3 =	sadd.s32 s3, s8  }
0x7: {  	s6 =	simm.s32 $0x1388;
	s4 =	sadd.s32 $0x5C00, s3;
	s3 =	simm.s32 $0x2  }
0x8: {  	[tilespmem:s2], [sflag:$0x2] =	stream.linear.gather [hbm4b:s4+s2], $0x1388, $0x38;
	[tilespmem:$0x14C08] =	vst v63  }
0x9: {  	s9 =	smul.u32 $0x2710, s7;
	s11 =	sshrl.u32 s10, $0x1;
	_ =	swait.ge [sflag:s3], $0x1388  }
0xa: {  	s7 =	simm.s32 $0x1;
	s31 =	ssub.s32 s10, s11;
	[sflag:s3] =	ssyncset.done $0x0  }
0xb: {  	s8 =	sadd.s32 s9, s8;
	s9 =	smax.u32 s31, $0x1;
	[sflag:s3] =	ssyncadd.s32 $0xFFFFEC78  }
0xc: {  	[tilespmem:s6], [sflag:$0x1] =	stream.indirect.gather [hbm4b:s5+s6], $0x10, s2, s6, $0xb8;
	[tilespmem:$0x14C08] =	vst v63  }
0xd: {  	p0 =	sne.s32 s9, $0x1;
	_ =	swait.ge [sflag:s7], $0x13880  }
.Ltmp0:
0xe: {  	[sflag:s7] =	ssyncset.done $0x0;
	(pc) =	sbr.rel @!p0 .LBB2_2-.Ltmp0, $4  }
0xf: {  	s8 =	sadd.s32 $0xB1000, s8;
	[sflag:s7] =	ssyncadd.s32 $0xFFFEC780  }
0x10: {  	[hbm4b:s8+s2] =	stream.linear.scatter [tilespmem:s6], [sflag:$0x2], $0x13880, $0x38;
	[tilespmem:$0x14C08] =	vst v63  }
0x11: {  	_ =	swait.ge [sflag:s3], $0x13880  }
0x12: {  	s9 =	sadd.s32 $0xFFFFFFFF, s9;
	[sflag:s3] =	ssyncset.done $0x0  }
.LBB2_1:
0x13: {  	p0 =	sne.s32 s9, $0x1;
	s9 =	sadd.s32 $0xFFFFFFFF, s9;
	[sflag:s3] =	ssyncadd.s32 $0xFFFEC780  }
0x14: {  	[tilespmem:s2], [sflag:$0x2] =	stream.linear.gather [hbm4b:s4+s2], $0x1388, $0x38;
	[tilespmem:$0x14C08] =	vst v63  }
0x15: {  	_ =	swait.ge [sflag:s3], $0x1388  }
0x16: {  	[sflag:s3] =	ssyncset.done $0x0  }
0x17: {  	[sflag:s3] =	ssyncadd.s32 $0xFFFFEC78  }
0x18: {  	[tilespmem:s6], [sflag:$0x1] =	stream.indirect.gather [hbm4b:s5+s6], $0x10, s2, s6, $0xb8;
	[tilespmem:$0x14C08] =	vst v63  }
0x19: {  	_ =	swait.ge [sflag:s7], $0x13880  }
.Ltmp1:
0x1a: {  	[sflag:s7] =	ssyncset.done $0x0;
	(pc) =	sbr.rel @p0 .LBB2_1-.Ltmp1, $4  }
0x1b: {  	[sflag:s7] =	ssyncadd.s32 $0xFFFEC780  }
0x1c: {  	[hbm4b:s8+s2] =	stream.linear.scatter [tilespmem:s6], [sflag:$0x2], $0x13880, $0x38;
	[tilespmem:$0x14C08] =	vst v63  }
0x1d: {  	_ =	swait.ge [sflag:s3], $0x13880  }
0x1e: {  	[sflag:s3] =	ssyncset.done $0x0  }
.LBB2_2:
0x1f: {  	[sflag:s3] =	ssyncadd.s32 $0xFFFEC780  }
0x20: {  	_ =	sfence.sel $0x180000  }
0x21: {  	[bflag:$0x0] =	sbarrier.arrive $0xFFFF  }
0x22: {  	p0 =	sne.s32 s0, $0x0;
	_ =	strace $0x90000053  }
0x23: {  	s0 =	sadd.s32 @!p0 $0x100000, s1;
	[bflag:$0x2] =	sbarrier.arrive $0xFFFF  }
0x24: {  	[sflag:s0] =	ssyncadd.tile.s32 @!p0 $0x1;
	_ =	shalt  }
.Lfunc_end2:
_tile_overlayer_lowered:
.L_overlay_start_2:
0x25: {  	(tag) =	ssettag $0x2  }
0x26: {  	s0 =	rddreg [dreg:$0x0];
	s2 =	stileid.u32  }
0x27: {  	s1 =	rddreg [dreg:$0x1];
	p0 =	sne.s32 s2, $0x0  }
0x28: {  	s3 =	rddreg [dreg:$0x2];
	[bflag:$0x3] =	sbarrier.arrive $0xFFFF;
	s2 =	simm.s32 @!p0 $0x1C02  }
0x29: {  	[timem:s3], [sflag:s2] =	dma.local @!p0 [hbm:s0], s1  }
0x2a: {  	s0 =	simm.s32 @!p0 $0x2  }
0x2b: {  	_ =	swait.ge @!p0 [sflag:s0], s1  }
0x2c: {  	s1 =	ssub.s32 @!p0 $0x0, s1;
	[sflag:s0] =	ssyncset.done @!p0 $0x0  }
0x2d: {  	[sflag:s0] =	ssyncadd.s32 @!p0 s1  }
0x2e: {  	[bflag:$0x3] =	sbarrier.arrive $0xFFFF  }
0x2f: {  	_ =	shalt  }

// kernel: kernel.29.cloned.1.call-start
scs
__scs_entry_jumppad:
0x0: {  	(pc) =	sbr.rel $0x88, $3  }
0x1: {  	(tag) =	ssettag $0x0;
	lr =	simm.s32 $0x1  }
0x2: {  	[smem:$0x3F84] =	sst lr;
	_ =	strace $0xD0000000  }
0x3: {  	_ = 	snop  }
0x4: {  	_ = 	snop  }
0x5: {  	_ = 	snop  }
0x6: {  	_ = 	snop  }
0x7: {  	_ = 	snop  }
__scs_overlays_trampoline_lowered:
0x8: {  	[smem:$0x3F93] =	sst s0  }
0x9: {  	[smem:$0x3F94] =	sst s1  }
0xa: {  	[smem:$0x3F95] =	sst s2  }
0xb: {  	[smem:$0x3F96] =	sst s3  }
0xc: {  	[smem:$0x3F97] =	sst s4  }
0xd: {  	[smem:$0x3F98] =	sst s5  }
0xe: {  	[smem:$0x3F99] =	sst s6  }
0xf: {  	[smem:$0x3F9A] =	sst s7  }
0x10: {  	[smem:$0x3F9B] =	sst s8  }
0x11: {  	[smem:$0x3F9C] =	sst s9;
	s0 =	simm.s32 @!p0 $0x0  }
0x12: {  	s1 =	sld [smem:$0x3F82];
	s0 =	simm.s32 @p0 $0x1  }
0x13: {  	[smem:$0x3F9D] =	sst s0;
	s0 =	simm.s32 @!p1 $0x0  }
0x14: {  	s2 =	sld [smem:$0x3F81];
	s0 =	simm.s32 @p1 $0x1  }
0x15: {  	[smem:$0x3F9E] =	sst s0;
	s0 =	simm.s32 @!p2 $0x0  }
0x16: {  	s3 =	sld [smem:$0x3FDB];
	s0 =	simm.s32 @p2 $0x1  }
0x17: {  	s4 =	simm.s32 $0x1BF5;
	[smem:$0x3FA0] =	sst s0  }
0x18: {  	s0 =	sld [smem:$0x3F83];
	_ =	swait.ge [sflag:s4], $0x0  }
0x19: {  	s7 =	sld [smem:$0x3F84]  }
0x1a: {  	s8 =	sadd.s32 $0xFFFFE003, lr  }
0x1b: {  	s9 =	sadd.s32 $0xFFFFFEF7, lr;
	s5 =	simm.s32 $0xFFFFFFFF;
	p2 =	slt.u32 s8, $0xFFFFF086  }
0x1c: {  	p1 =	slt.u32 s9, $0xF7A;
	s5 =	simm.s32 @!p2 $0x0  }
0x1d: {  	s5 =	simm.s32 @p1 $0x1;
	p0 =	seq.s32 s7, s2  }
0x1e: {  	s7 =	smul.u32 @!p0 $0xF7A, s2;
	p2 =	seq.s32 @!p0 s5, $0x0  }
0x1f: {  	s9 =	smul.u32 $0xF7A, s1;
	s8 =	simm.s32 @!p0 $0x1BF5;
	p2 =	por !p2, p0  }
0x20: {  	[sflag:s8] =	ssyncset.s32 @!p0 $0xFFFFF086;
	s6 =	sadd.s32 @!p0 s3, s7;
	s7 =	simm.s32 @!p0 $0x108  }
0x21: {  	s3 =	sadd.s32 s3, s9;
	s6 =	sadd.s32 @!p0 $0x88, s6;
	s7 =	simm.s32 @p2 $0x1082  }
0x22: {  	[simem:s7], [sflag:s8] =	dma.local @!p0 [hbm:s6], $0xF7A  }
0x23: {  	s9 =	sor.u32 $0xD0000000, s2;
	s6 =	simm.s32 $0x108;
	_ =	swait.ge @!p0 [sflag:s8], $0x0  }
0x24: {  	s3 =	sadd.s32 $0x88, s3;
	s6 =	simm.s32 @!p1 $0x1082;
	[sflag:s4] =	ssyncset.s32 $0xFFFFF086  }
0x25: {  	[simem:s6], [sflag:s4] =	dma.local [hbm:s3], $0xF7A  }
0x26: {  	[smem:$0x3F84] =	sst s1;
	(tag) =	ssettag s2;
	_ =	strace s9  }
0x27: {  	s1 =	sld [smem:$0x3F94]  }
0x28: {  	s2 =	sld [smem:$0x3F95]  }
0x29: {  	s4 =	sld [smem:$0x3F97]  }
0x2a: {  	p0 =	seq.s32 s5, $0x0;
	s5 =	sld [smem:$0x3F98]  }
0x2b: {  	s6 =	sld [smem:$0x3F99]  }
0x2c: {  	s7 =	sld [smem:$0x3F9A]  }
0x2d: {  	s3 =	simm.s32 $0x108;
	s8 =	sld [smem:$0x3F9B]  }
0x2e: {  	s3 =	simm.s32 @!p0 $0x1082;
	s9 =	sld [smem:$0x3F9C]  }
0x2f: {  	lr =	sadd.s32 s0, s3;
	s0 =	sld [smem:$0x3F93]  }
0x30: {  	s3 =	sld [smem:$0x3F96]  }
0x31: {  	[smem:$0x3F9F] =	sst s10  }
0x32: {  	s10 =	sld [smem:$0x3F9D];
	_ =	sdelay $0x3  }
0x33: {  	p0 =	seq.s32 s10, $0x1;
	s10 =	sld [smem:$0x3F9F];
	_ =	sdelay $0x3  }
0x34: {  	[smem:$0x3F9F] =	sst s10  }
0x35: {  	s10 =	sld [smem:$0x3F9E];
	_ =	sdelay $0x3  }
0x36: {  	p1 =	seq.s32 s10, $0x1;
	s10 =	sld [smem:$0x3F9F];
	_ =	sdelay $0x3  }
0x37: {  	[smem:$0x3F9F] =	sst s10  }
0x38: {  	s10 =	sld [smem:$0x3FA0]  }
0x39: {  	_ = 	snop;
	(pc) =	sbr.ind lr, $3  }
0x3a: {  	_ = 	snop  }
0x3b: {  	_ = 	snop  }
0x3c: {  	p2 =	seq.s32 s10, $0x1;
	s10 =	sld [smem:$0x3F9F]  }
0x3d: {  	_ =	shalt  }
0x3e: {  	_ =	shalt  }
0x3f: {  	_ =	shalt  }
0x40: {  	_ =	shalt  }
0x41: {  	_ =	shalt  }
0x42: {  	_ =	shalt  }
0x43: {  	_ =	shalt  }
0x44: {  	_ =	shalt  }
0x45: {  	_ =	shalt  }
0x46: {  	_ =	shalt  }
0x47: {  	_ =	shalt  }
0x48: {  	_ =	shalt  }
0x49: {  	_ =	shalt  }
0x4a: {  	_ =	shalt  }
0x4b: {  	_ =	shalt  }
0x4c: {  	_ =	shalt  }
0x4d: {  	_ =	shalt  }
0x4e: {  	_ =	shalt  }
0x4f: {  	_ =	shalt  }
0x50: {  	_ =	shalt  }
0x51: {  	_ =	shalt  }
0x52: {  	_ =	shalt  }
0x53: {  	_ =	shalt  }
0x54: {  	_ =	shalt  }
0x55: {  	_ =	shalt  }
0x56: {  	_ =	shalt  }
0x57: {  	_ =	shalt  }
0x58: {  	_ =	shalt  }
0x59: {  	_ =	shalt  }
0x5a: {  	_ =	shalt  }
0x5b: {  	_ =	shalt  }
0x5c: {  	_ =	shalt  }
0x5d: {  	_ =	shalt  }
0x5e: {  	_ =	shalt  }
0x5f: {  	_ =	shalt  }
0x60: {  	_ =	shalt  }
0x61: {  	_ =	shalt  }
0x62: {  	_ =	shalt  }
0x63: {  	_ =	shalt  }
0x64: {  	_ =	shalt  }
0x65: {  	_ =	shalt  }
0x66: {  	_ =	shalt  }
0x67: {  	_ =	shalt  }
0x68: {  	_ =	shalt  }
0x69: {  	_ =	shalt  }
0x6a: {  	_ =	shalt  }
0x6b: {  	_ =	shalt  }
0x6c: {  	_ =	shalt  }
0x6d: {  	_ =	shalt  }
0x6e: {  	_ =	shalt  }
0x6f: {  	_ =	shalt  }
0x70: {  	_ =	shalt  }
0x71: {  	_ =	shalt  }
0x72: {  	_ =	shalt  }
0x73: {  	_ =	shalt  }
0x74: {  	_ =	shalt  }
0x75: {  	_ =	shalt  }
0x76: {  	_ =	shalt  }
0x77: {  	_ =	shalt  }
0x78: {  	_ =	shalt  }
0x79: {  	_ =	shalt  }
0x7a: {  	_ =	shalt  }
0x7b: {  	_ =	shalt  }
0x7c: {  	_ =	shalt  }
0x7d: {  	_ =	shalt  }
0x7e: {  	_ =	shalt  }
0x7f: {  	_ =	shalt  }
0x80: {  	_ =	shalt  }
0x81: {  	_ =	shalt  }
0x82: {  	_ =	shalt  }
0x83: {  	_ =	shalt  }
0x84: {  	_ =	shalt  }
0x85: {  	_ =	shalt  }
0x86: {  	_ =	shalt  }
0x87: {  	_ =	shalt  }
.Lfunc_end0:
.L_simem_size_0:
called_computation.5_lowered:
.L_overlay_start_0:
0x88: {  	s2 =	sld [smem:$0x3FD9]  }
0x89: {  	s3 =	sld [smem:$0x3FFE];
	_ =	sdelay $0x1  }
0x8a: {  	s1 =	srdreg.scid  }
0x8b: {  	s0 =	sand.u32 $0x1, s1  }
0x8c: {  	s16 =	sshll.u32 s0, $0xA;
	s2 =	sadd.s32 s3, s2  }
0x8d: {  	s2 =	sadd.s32 s2, s16  }
0x8e: {  	[smem:$0x3FAB] =	sst s2  }
0x8f: {  	_ = 	snop  }
0x90: {  	(tm) =	ssettm $0x1  }
0x91: {  	s17 =	sld [smem:$0x3FFB];
	_ =	sdelay $0x3  }
0x92: {  	_ =	strace s17  }
0x93: {  	s2 =	sld [smem:$0x3FFC];
	_ =	sdelay $0x3  }
0x94: {  	_ =	strace s2  }
0x95: {  	s2 =	sld [smem:$0x3FFD];
	_ =	sdelay $0x3  }
0x96: {  	_ =	strace s2  }
0x97: {  	_ =	strace $0x8FFFFFFF  }
0x98: {  	s18 =	sld [smem:$0x3FDB];
	_ =	sdelay $0x1  }
0x99: {  	s19 =	simm.s32 $_scs_section_size  }
0x9a: {  	s4 =	simm.s32 $_size__tile_overlayer_lowered;
	s5 =	simm.s32 $_tile_overlayer_lowered  }
0x9b: {  	s22 =	simm.s32 $0x1BFF;
	s21 =	sshll.u32 s5, $0x1;
	s2 =	sadd.s32 s19, s18  }
0x9c: {  	s6 =	simm.s32 $0x0;
	s20 =	sshll.u32 s4, $0x1;
	s4 =	sadd.s32 s21, s2  }
0x9d: {  	[timem:s6], [sflag:s22] =	dma.local [hbm:s4], s20  }
0x9e: {  	_ =	swait.ge [sflag:s22], s20  }
0x9f: {  	s3 =	ssub.s32 $0x0, s20;
	[sflag:s22] =	ssyncset.done $0x0  }
0xa0: {  	[sflag:s22] =	ssyncadd.s32 s3;
	_ =	sdelay $0x1  }
0xa1: {  	s23 =	simm.s32 $0x1B8B  }
0xa2: {  	_ =	swait.ge [sflag:s23], $0x1  }
0xa3: {  	[sflag:s23] =	ssyncset.done $0x0  }
0xa4: {  	s25 =	simm.s32 $0x1B8E;
	s24 =	sld [smem:$0x3FFE];
	[sflag:s23] =	ssyncadd.s32 $0xFFFFFFFF  }
0xa5: {  	s26 =	simm.s32 $execute0_lowered;
	[smem:$0x3FD2] =	sst s25  }
0xa6: {  	s4 =	sshll.u32 s26, $0x1;
	_ =	strace $0x80000055;
	[dreg:$0x1] =	wrdreg $0xFFFFFFFF  }
0xa7: {  	s28 =	simm.s32 $_size_execute0_lowered;
	s2 =	sadd.s32 s2, s4;
	[dreg:$0x0] =	wrdreg $0x0  }
0xa8: {  	s4 =	sshll.u32 s28, $0x1;
	[dreg:$0x2] =	wrdreg s2  }
0xa9: {  	[dreg:$0x3] =	wrdreg s4  }
0xaa: {  	[dreg:$0x4] =	wrdreg $0xC0  }
0xab: {  	_ =	task [dreg:s6], $0x5FFFF  }
0xac: {  	[dreg:$0x1] =	wrdreg $0xFFFFFFFF  }
0xad: {  	[dreg:$0x0] =	wrdreg $0x60  }
0xae: {  	[dreg:$0x2] =	wrdreg s24  }
0xaf: {  	[dreg:$0x3] =	wrdreg $0x173180  }
0xb0: {  	[dreg:$0x4] =	wrdreg $0x9  }
0xb1: {  	_ =	task.clear_ibuf [dreg:s6], $0x5FFFF;
	_ =	strace $0x90000055  }
0xb2: {  	s29 =	simm.s32 $0x9;
	_ =	strace $0x80000057  }
0xb3: {  	_ =	swait.ge [sflag:s29], $0x1  }
0xb4: {  	[sflag:s29] =	ssyncadd.s32 $0xFFFFFFFF  }
0xb5: {  	_ =	strace $0x90000057  }
0xb6: {  	_ =	sfence  }
0xb7: {  	s30 =	sld [smem:$0x0];
	_ =	sdelay $0x2  }
0xb8: {  	s31 =	sshll.u32 s1, $0xD;
	s1 =	sshrl.u32 s1, $0x2  }
0xb9: {  	s3 =	sand.u32 $0x4000, s31;
	s1 =	sadd.s32 s1, s30  }
0xba: {  	s0 =	sor.u32 s3, s0;
	s1 =	sshll.u32 s1, $0x11  }
0xbb: {  	s0 =	sor.u32 s1, s0  }
0xbc: {  	s0 =	sadd.s32 $0x8F2B, s0  }
0xbd: {  	[sflag:s0] =	ssyncadd.remote.s32 $0x1  }
0xbe: {  	_ =	sfence.sel $0xFFFF  }
0xbf: {  	[dreg:$0x0] =	wrdreg $0xFFFFFFFF;
	(pc) =	sbr.abs _section_cstart, $3  }
0xc0: {  	[dreg:$0x1] =	wrdreg $0xFFFFFFFF  }
0xc1: {  	_ =	task.clear_ibuf [dreg:s6], $0x2FFFF;
	_ =	strace $0x9FFFFFFF  }
0xc2: {  	(tm) =	ssettm $0x7FFFFFFF  }
0xc3: {  	_ =	shalt  }
tec
execute0_lowered:
.L_overlay_start_1:
0x0: {  	(tag) =	ssettag $0x1  }
0x1: {  	s4 =	rddreg [dreg:$0x0]  }
0x2: {  	s2 =	rddreg [dreg:$0x1]  }
0x3: {  	s0 =	rddreg [dreg:$0x2];
	s3 =	simm.s32 $0x0;
	s5 =	srdreg.scid  }
0x4: {  	s1 =	stileid.u32;
	s11 =	simm.s32 $0x1388;
	s12 =	simm.s32 $0x0  }
0x5: {  	s5 =	sand.u32 $0x1, s5;
	s6 =	sshll.u32 s1, $0x1;
	s7 =	smul.u32 $0x2710, s1  }
0x6: {  	[smem:$0x7FF] =	sst s3;
	s6 =	sor.u32 s5, s6;
	s8 =	smul.u32 $0x27100, s5  }
0x7: {  	_ =	strace $0x80000056;
	s5 =	ssub.s32 $0x2, s5;
	s9 =	smul.u32 $0x2710, s6  }
0x8: {  	s6 =	smul.u32 $0x271, s6;
	s10 =	sshrl.u32 s5, $0x1;
	s8 =	sadd.s32 s7, s8  }
0x9: {  	s10 =	ssub.s32 s5, s10;
	s9 =	sadd.s32 s9, s4;
	s8 =	sshrl.u32 s8, $0x3  }
0xa: {  	s6 =	sadd.s32 s6, s4;
	s8 =	sadd.s32 s8, s4;
	s4 =	sadd.s32 s7, s2  }
0xb: {  	s5 =	sadd.s32 $0xAC00, s6;
	s6 =	sadd.s32 $0xFC00, s9;
	s9 =	simm.s32 $0x14C08  }
0xc: {  	v0 =	vimm.f32 $0.0e+00;
	s7 =	sadd.s32 $0x5DE00, s8;
	s8 =	smax.u32 s10, $0x1;
	s10 =	simm.s32 $0x1  }
.LBB2_1:
0xd: {  	s13 =	simm.s32 $0x40;
	s14 =	simm.s32 $0x0  }
.LBB2_2:
0xe: {  	p0 =	sne.s32 s13, $0x9C00;
	[tilespmem:s14+$0x14C08] =	vst v0;
	s14 =	smov.u32 s13;
	s13 =	sadd.s32 $0x40, s13  }
.Ltmp0:
0xf: {  	(pc) =	sbr.rel @p0 .LBB2_2-.Ltmp0, $2  }
0x10: {  	_ =	sdelay $0x2  }
0x11: {  	s14 =	sshra.s32 s14, $0x2  }
0x12: {  	[tilespmem:s14+$0x14C08] =	vst v0  }
0x13: {  	[spmem:s4] =	stream.linear.scatter [tilespmem:s9], [sflag:$0x1], $0x2710, $0x38;
	[tilespmem:$0x19A28] =	vst v63  }
0x14: {  	_ =	swait.ge [sflag:s10], $0x2710  }
0x15: {  	[sflag:s10] =	ssyncset.done $0x0  }
0x16: {  	[sflag:s10] =	ssyncadd.s32 $0xFFFFD8F0  }
0x17: {  	[bflag:$0x0] =	sbarrier.arrive $0xFFFF  }
0x18: {  	[tilespmem:s3], [sflag:$0x1] =	stream.linear.gather [hbm4b:s5+s3], $0x1388, $0x38;
	[tilespmem:$0x19A28] =	vst v63  }
0x19: {  	_ =	swait.ge [sflag:s10], $0x1388  }
0x1a: {  	[sflag:s10] =	ssyncset.done $0x0  }
0x1b: {  	[sflag:s10] =	ssyncadd.s32 $0xFFFFEC78  }
0x1c: {  	[tilespmem:s11], [sflag:$0x1] =	stream.linear.gather [hbm4b:s6+s3], $0x13880, $0x38;
	[tilespmem:$0x19A28] =	vst v63  }
0x1d: {  	_ =	swait.ge [sflag:s10], $0x13880  }
0x1e: {  	[sflag:s10] =	ssyncset.done $0x0  }
0x1f: {  	[sflag:s10] =	ssyncadd.s32 $0xFFFEC780  }
0x20: {  	[spmem:s2] =	stream.indirect.scatter.add.f32 [tilespmem:s11], [sflag:$0x1], $0x10, s3, s11, $0xb8;
	[tilespmem:$0x19A28] =	vst v63  }
0x21: {  	_ =	swait.ge [sflag:s10], $0x13880  }
0x22: {  	[sflag:s10] =	ssyncset.done $0x0  }
0x23: {  	[sflag:s10] =	ssyncadd.s32 $0xFFFEC780  }
0x24: {  	[bflag:$0x0] =	sbarrier.arrive $0xFFFF  }
0x25: {  	[tilespmem:s9], [sflag:$0x1] =	stream.linear.gather [spmem:s4], $0x2710, $0x38;
	[tilespmem:$0x19A28] =	vst v63  }
0x26: {  	s12 =	sadd.s32 $0x1, s12;
	_ =	swait.ge [sflag:s10], $0x2710  }
0x27: {  	p0 =	sne.s32 s12, s8;
	[sflag:s10] =	ssyncset.done $0x0  }
.Ltmp1:
0x28: {  	[sflag:s10] =	ssyncadd.s32 $0xFFFFD8F0;
	(pc) =	sbr.rel @p0 .LBB2_1-.Ltmp1, $4  }
0x29: {  	[hbm4b:s7+s3] =	stream.linear.scatter [tilespmem:s9], [sflag:$0x1], $0x2710, $0x38;
	[tilespmem:$0x19A28] =	vst v63  }
0x2a: {  	_ =	swait.ge [sflag:s10], $0x2710  }
0x2b: {  	[sflag:s10] =	ssyncset.done $0x0  }
0x2c: {  	[sflag:s10] =	ssyncadd.s32 $0xFFFFD8F0  }
0x2d: {  	_ =	sfence.sel $0x180000  }
0x2e: {  	[bflag:$0x0] =	sbarrier.arrive $0xFFFF  }
0x2f: {  	p0 =	sne.s32 s1, $0x0;
	_ =	strace $0x90000056  }
0x30: {  	s0 =	sadd.s32 @!p0 $0x100000, s0;
	[bflag:$0x2] =	sbarrier.arrive $0xFFFF  }
0x31: {  	[sflag:s0] =	ssyncadd.tile.s32 @!p0 $0x1;
	_ =	shalt  }
.Lfunc_end2:
_tile_overlayer_lowered:
.L_overlay_start_2:
0x32: {  	(tag) =	ssettag $0x2  }
0x33: {  	s0 =	rddreg [dreg:$0x0];
	s2 =	stileid.u32  }
0x34: {  	s1 =	rddreg [dreg:$0x1];
	p0 =	sne.s32 s2, $0x0  }
0x35: {  	s3 =	rddreg [dreg:$0x2];
	[bflag:$0x3] =	sbarrier.arrive $0xFFFF;
	s2 =	simm.s32 @!p0 $0x1C01  }
0x36: {  	[timem:s3], [sflag:s2] =	dma.local @!p0 [hbm:s0], s1  }
0x37: {  	s0 =	simm.s32 @!p0 $0x1  }
0x38: {  	_ =	swait.ge @!p0 [sflag:s0], s1  }
0x39: {  	s1 =	ssub.s32 @!p0 $0x0, s1;
	[sflag:s0] =	ssyncset.done @!p0 $0x0  }
0x3a: {  	[sflag:s0] =	ssyncadd.s32 @!p0 s1  }
0x3b: {  	[bflag:$0x3] =	sbarrier.arrive $0xFFFF  }
0x3c: {  	_ =	shalt  }

</sc_bundles>
